<compile_context>
chip_gen: v7x
topology: tpu7x:2x2x1
jax: 0.10.2.dev20260603
libtpu: 0.0.44.dev20260713+nightly
codegen_flags: <defaults>
</compile_context>

<pallas_src>
import functools

import jax
import jax.numpy as jnp
from jax import lax
from jax.experimental import pallas as pl
from jax.experimental.pallas import tpu as pltpu
from jax.experimental.pallas import tpu_sc as plsc

N = 4096
E = 65536
IN = 128
HID = 256
OUT = 16
R = 2.0
T = 1.0
EPS = 1e-5

NC = 2
NS = 16
CH = 128
NW = NC * NS
NCHUNK = E // (NW * CH)
RPT = N // NS

D1 = 272
D2 = 256
D3 = 32

BR = 512



def _seg_sum_partials(m, src, dst, d, pipelined=False):
    mesh = plsc.VectorSubcoreMesh(
        core_axis_name="c", subcore_axis_name="s",
        num_cores=NC, num_subcores=NS)

    def body(m_hbm, src_hbm, dst_hbm, zeros_hbm, out_hbm,
             src_v, dst_v, rows0, rows1, agg_sh, sem0, sem1):
        cid = lax.axis_index("c")
        sid = lax.axis_index("s")
        w = cid * NS + sid
        pltpu.sync_copy(zeros_hbm, agg_sh.at[pl.ds(sid * RPT, RPT)])
        pltpu.sync_copy(src_hbm.at[w], src_v)
        pltpu.sync_copy(dst_hbm.at[w], dst_v)
        plsc.subcore_barrier()

        if pipelined:
            rows = (rows0, rows1)
            sems = (sem0, sem1)
            handles = [pltpu.async_copy(m_hbm.at[src_v.at[0]], rows0, sem0)]
            for j in range(NCHUNK):
                handles[j].wait()
                if j + 1 < NCHUNK:
                    handles.append(pltpu.async_copy(
                        m_hbm.at[src_v.at[j + 1]],
                        rows[(j + 1) % 2], sems[(j + 1) % 2]))
                pltpu.sync_copy(rows[j % 2], agg_sh.at[dst_v.at[j]],
                                add=True)
        else:
            def chunk(j, carry):
                pltpu.async_copy(m_hbm.at[src_v.at[j]], rows0, sem0).wait()
                pltpu.sync_copy(rows0, agg_sh.at[dst_v.at[j]], add=True)
                return carry

            lax.fori_loop(0, NCHUNK, chunk, 0)
        plsc.subcore_barrier()
        pltpu.sync_copy(agg_sh.at[pl.ds(sid * RPT, RPT)],
                        out_hbm.at[cid, pl.ds(sid * RPT, RPT)])

    f = pl.kernel(
        body,
        out_type=jax.ShapeDtypeStruct((NC, N, d), jnp.float32),
        mesh=mesh,
        compiler_params=pltpu.CompilerParams(use_tc_tiling_on_sc=False),
        scratch_types=[
            pltpu.VMEM((NCHUNK, CH), jnp.int32),
            pltpu.VMEM((NCHUNK, CH), jnp.int32),
            pltpu.VMEM((CH, d), jnp.float32),
            pltpu.VMEM((CH, d), jnp.float32),
            pltpu.VMEM_SHARED((N, d), jnp.float32),
            pltpu.SemaphoreType.DMA,
            pltpu.SemaphoreType.DMA,
        ],
    )
    zeros = jnp.zeros((RPT, d), jnp.float32)
    return f(m, src, dst, zeros)



def _log0(v):
    nrm = jnp.maximum(jnp.sqrt(jnp.sum(v * v, axis=1, keepdims=True)), EPS)
    en = jnp.exp(nrm)
    eni = 1.0 / en
    c = 0.5 * (en + eni)
    s = 0.5 * (en - eni)
    xs = (s / nrm) * v
    nrm2 = jnp.maximum(jnp.sqrt(jnp.sum(xs * xs, axis=1, keepdims=True)), EPS)
    y = jnp.maximum(c, 1.0 + EPS)
    dfac = jnp.log(y + jnp.sqrt(y + 1.0) * jnp.sqrt(y - 1.0))
    return (dfac / nrm2) * xs


def _enc_in_body(x_ref, w_ref, b_ref, o_ref):
    h = _log0(x_ref[...])
    m = jnp.dot(h, w_ref[...], preferred_element_type=jnp.float32) + b_ref[...]
    br = m.shape[0]
    o_ref[...] = jnp.concatenate(
        [m, jnp.ones((br, 1), jnp.float32), jnp.zeros((br, 15), jnp.float32)],
        axis=1)


def _mid1_body(m_ref, a0_ref, a1_ref, w_ref, b_ref, o_ref, deg_ref):
    agg = a0_ref[0] + a1_ref[0]
    deg = jnp.maximum(agg[:, HID:HID + 1], 1.0)
    out = m_ref[:, :HID] + agg[:, :HID] / deg
    h = _log0(out[:, 1:])
    m2 = jnp.dot(h, w_ref[...], preferred_element_type=jnp.float32) + b_ref[...]
    o_ref[...] = m2
    deg_ref[...] = jnp.broadcast_to(deg, (deg.shape[0], 8))


def _mid2_body(m_ref, a0_ref, a1_ref, deg_ref, w_ref, b_ref, o_ref):
    agg = a0_ref[0] + a1_ref[0]
    deg = deg_ref[:, 0:1]
    out = jnp.maximum(m_ref[...] + agg / deg, 0.0)
    h = _log0(out[:, 1:])
    o_ref[...] = (jnp.dot(h, w_ref[...], preferred_element_type=jnp.float32)
                  + b_ref[...])


def _fin_body(m_ref, a0_ref, a1_ref, deg_ref, sc_ref, z_ref):
    agg = a0_ref[0] + a1_ref[0]
    deg = deg_ref[:, 0:1]
    out = jnp.maximum(m_ref[...] + agg / deg, 0.0)
    v = out[:, 1:OUT + 1]
    nrm = jnp.maximum(jnp.sqrt(jnp.sum(v * v, axis=1, keepdims=True)), EPS)
    en = jnp.exp(nrm)
    eni = 1.0 / en
    x0 = 0.5 * (en + eni)
    xs = (0.5 * (en - eni) / nrm) * v
    p = xs / (x0 + 1.0)
    pn = jnp.maximum(jnp.sqrt(jnp.sum(p * p, axis=1, keepdims=True)), 1e-12)
    s = jnp.clip(sc_ref[0, 0], 0.01, 0.999)
    ph = (p / pn) * s
    sq = jnp.sum(ph * ph, axis=1, keepdims=True)
    denom = jnp.maximum(1.0 - sq, EPS)
    z0 = (1.0 + sq) / denom
    zs = 2.0 * ph / denom
    br = z0.shape[0]
    z_ref[...] = jnp.concatenate(
        [z0, zs, jnp.zeros((br, D3 - OUT - 1), jnp.float32)], axis=1)


def _dec_body(zi_ref, zj_ref, o_ref):
    zi = zi_ref[...]
    zj = zj_ref[...]
    col = lax.broadcasted_iota(jnp.int32, (1, D3), 1)
    sgn = jnp.where(col == 0, -1.0, jnp.where(col <= OUT, 1.0, 0.0))
    zim = zi * sgn
    ip = lax.dot_general(zim, zj, (((1,), (1,)), ((), ())),
                         preferred_element_type=jnp.float32)
    y = jnp.maximum(-ip, 1.0 + EPS)
    dh = jnp.log(y + jnp.sqrt(y * y - 1.0))
    t = (R - dh * dh) / T
    p1 = 1.0 / (1.0 + jnp.exp(-t))
    o = 0.0011067961459417246
    for c in (0.0014183232722458576, -0.02166044050932066,
              0.0002160987515866284, 0.2499778346293575, 0.500000536147302):
        o = o * p1 + c
    o_ref[...] = o


def _row_call(body, widths_in, width_out, extra_outs=()):
    grid = (N // BR,)
    in_specs = []
    for kind, w in widths_in:
        if kind == "rows":
            in_specs.append(pl.BlockSpec((BR, w), lambda i: (i, 0)))
        elif kind == "part0":
            in_specs.append(pl.BlockSpec((1, BR, w), lambda i: (0, i, 0)))
        elif kind == "part1":
            in_specs.append(pl.BlockSpec((1, BR, w), lambda i: (1, i, 0)))
        else:
            in_specs.append(
                pl.BlockSpec(w, lambda i, _n=len(w): (0,) * _n))
    out_shapes = [jax.ShapeDtypeStruct((N, width_out), jnp.float32)]
    out_specs = [pl.BlockSpec((BR, width_out), lambda i: (i, 0))]
    for w in extra_outs:
        out_shapes.append(jax.ShapeDtypeStruct((N, w), jnp.float32))
        out_specs.append(pl.BlockSpec((BR, w), lambda i: (i, 0)))
    return pl.pallas_call(
        body, grid=grid, in_specs=in_specs,
        out_shape=out_shapes if len(out_shapes) > 1 else out_shapes[0],
        out_specs=out_specs if len(out_specs) > 1 else out_specs[0])


def kernel(x, adj, W1, b1, W2, b2, W3, b3, scale):
    src = adj[0].reshape(NW, NCHUNK, CH)
    dst = adj[1].reshape(NW, NCHUNK, CH)

    enc = _row_call(_enc_in_body,
                    [("rows", IN), ("full", (IN, HID)), ("full", (1, HID))],
                    D1)
    m1 = enc(x, W1[1:], b1.reshape(1, HID))
    agg1 = _seg_sum_partials(m1, src, dst, D1)

    mid1 = _row_call(_mid1_body,
                     [("rows", D1), ("part0", D1), ("part1", D1),
                      ("full", (HID - 1, HID)), ("full", (1, HID))],
                     D2, extra_outs=(8,))
    m2, deg = mid1(m1, agg1, agg1, W2[1:], b2.reshape(1, HID))
    agg2 = _seg_sum_partials(m2, src, dst, D2)

    W3p = jnp.pad(W3[1:], ((0, 0), (0, D3 - OUT - 1)))
    b3p = jnp.pad(b3, (0, D3 - OUT - 1)).reshape(1, D3)
    mid2 = _row_call(_mid2_body,
                     [("rows", D2), ("part0", D2), ("part1", D2),
                      ("rows", 8), ("full", (HID - 1, D3)), ("full", (1, D3))],
                     D3)
    m3 = mid2(m2, agg2, agg2, deg, W3p, b3p)
    agg3 = _seg_sum_partials(m3, src, dst, D3)

    fin = _row_call(_fin_body,
                    [("rows", D3), ("part0", D3), ("part1", D3),
                     ("rows", 8), ("full", (1, 1))],
                    D3)
    zp = fin(m3, agg3, agg3, deg, scale.reshape(1, 1))

    dec = pl.pallas_call(
        _dec_body, grid=(N // BR, N // BR),
        in_specs=[pl.BlockSpec((BR, D3), lambda i, j: (i, 0)),
                  pl.BlockSpec((BR, D3), lambda i, j: (j, 0))],
        out_shape=jax.ShapeDtypeStruct((N, N), jnp.float32),
        out_specs=pl.BlockSpec((BR, BR), lambda i, j: (i, j)))
    adj_pred = dec(zp, zp)
    return (adj_pred, zp[:, :OUT + 1])

# --- scband reference (transcript-rebuilt; emitter-appended) ---
"""Pipeline reference for scband-hyper-graph-auto-encoder-21655225107258 (READ-ONLY COPY).

The authoritative reference and input builder live on the scoring server;
editing this copy changes nothing except your own understanding.
"""

import jax, jax.numpy as jnp
import numpy as np

N = 4096
E = 65536
IN = 128
HID = 256
OUT = 16
R = 2.0
T = 1.0
EPS = 1e-5

def expmap0(u):
    v = u[:, 1:]
    nrm = jnp.clip(jnp.linalg.norm(v, axis=-1, keepdims=True), EPS, None)
    return jnp.concatenate([jnp.cosh(nrm), jnp.sinh(nrm) * v / nrm], axis=-1)

def logmap0(x):
    x0 = x[:, :1]
    xs = x[:, 1:]
    nrm = jnp.clip(jnp.linalg.norm(xs, axis=-1, keepdims=True), EPS, None)
    d = jnp.arccosh(jnp.clip(x0, 1.0 + EPS, None))
    return jnp.concatenate([jnp.zeros_like(x0), d * xs / nrm], axis=-1)

def to_poincare(x):
    return x[:, 1:] / (x[:, :1] + 1.0)

def from_poincare(p):
    sq = jnp.sum(p * p, axis=-1, keepdims=True)
    denom = jnp.clip(1.0 - sq, EPS, None)
    return jnp.concatenate([(1.0 + sq) / denom, 2.0 * p / denom], axis=-1)

def hyp_conv(x, edge_index, W, b, nonlin):
    h = logmap0(x)
    m = h @ W + b
    src = edge_index[0]
    dst = edge_index[1]
    n = x.shape[0]
    deg = jnp.clip(jnp.zeros((n,), m.dtype).at[dst].add(1.0), 1.0, None)
    agg = jnp.zeros((n, m.shape[1]), m.dtype).at[dst].add(m[src])
    out = m + agg / deg[:, None]
    if nonlin:
        out = jax.nn.relu(out)
    out = out.at[:, 0].set(0.0)
    return expmap0(out)

def normalize_z(z, scale):
    p = to_poincare(z)
    nrm = jnp.clip(jnp.linalg.norm(p, axis=-1, keepdims=True), 1e-12, None)
    p = p / nrm * jnp.clip(scale, 0.01, 0.999)
    return from_poincare(p)

def fermi_dirac(z):
    ip = z[:, 1:] @ z[:, 1:].T - jnp.outer(z[:, 0], z[:, 0])
    d2 = jnp.arccosh(jnp.clip(-ip, 1.0 + EPS, None)) ** 2
    probs = jax.nn.sigmoid((R - d2) / T)
    return jax.nn.sigmoid(probs)

def setup_inputs(seed: int = 0):
    key = jax.random.key(seed)
    ks = jax.random.split(key, 8)
    x = jax.random.normal(ks[0], (N, IN), dtype=jnp.float32)
    adj = jax.random.randint(ks[1], (2, E), 0, N, dtype=jnp.int32)
    W1 = jax.random.normal(ks[2], (IN + 1, HID), dtype=jnp.float32) * 0.05
    b1 = jnp.zeros((HID,), jnp.float32)
    W2 = jax.random.normal(ks[3], (HID, HID), dtype=jnp.float32) * 0.05
    b2 = jnp.zeros((HID,), jnp.float32)
    W3 = jax.random.normal(ks[4], (HID, OUT + 1), dtype=jnp.float32) * 0.05
    b3 = jnp.zeros((OUT + 1,), jnp.float32)
    scale = jnp.array([0.999], jnp.float32)
    return {"x": x, "adj": adj, "W1": W1, "b1": b1, "W2": W2, "b2": b2, "W3": W3, "b3": b3, "scale": scale}

def reference(x, adj, W1, b1, W2, b2, W3, b3, scale):
    o = jnp.zeros_like(x)
    h = jnp.concatenate([o[:, 0:1], x], axis=1)
    h = expmap0(h)
    h = hyp_conv(h, adj, W1, b1, False)
    h = hyp_conv(h, adj, W2, b2, True)
    h = hyp_conv(h, adj, W3, b3, True)
    z = normalize_z(h, scale)
    adj_pred = fermi_dirac(z)
    return (adj_pred, z)

if __name__ == "__main__":
    import jax
    _d = setup_inputs()
    print(jax.jit(kernel)(*tuple(_d.values())))

</pallas_src>

<mosaic_0001>
#map = affine_map<(d0, d1) -> (0, 0)>
#map1 = affine_map<(d0, d1) -> (0, 0, 0)>
module attributes {stable_mosaic.version = 14 : i64} {
  func.func @body(%arg0: i32, %arg1: i32, %arg2: memref<4096x256xf32, #tpu.memory_space<hbm>>, %arg3: memref<32x16x128xi32, #tpu.memory_space<hbm>>, %arg4: memref<32x16x128xi32, #tpu.memory_space<hbm>>, %arg5: memref<256x256xf32, #tpu.memory_space<hbm>>, %arg6: memref<2x4096x256xf32, #tpu.memory_space<hbm>>, %arg7: memref<16x128xi32, #tpu.memory_space<vmem>>, %arg8: memref<16x128xi32, #tpu.memory_space<vmem>>, %arg9: memref<128x256xf32, #tpu.memory_space<vmem>>, %arg10: memref<128x256xf32, #tpu.memory_space<vmem>>, %arg11: memref<4096x256xf32, #tpu.memory_space<vmem_shared>>, %arg12: memref<!tpu.dma_semaphore, #tpu.memory_space<semaphore_mem>>, %arg13: memref<!tpu.dma_semaphore, #tpu.memory_space<semaphore_mem>>) attributes {dimension_semantics = [#tpu.dimension_semantics<core_parallel>, #tpu.dimension_semantics<subcore_parallel>], iteration_bounds = array<i64: 2, 16>, scalar_prefetch = 0 : i64, scratch_operands = 7 : i64, tpu.core_type = #tpu.core_type<sc_vector_subcore>, window_params = [{transform_indices = #map}, {transform_indices = #map1}, {transform_indices = #map1}, {transform_indices = #map}, {transform_indices = #map1}]} {
    %mul3A = arith.constant 16 : i32
    %mul3A_0 = arith.muli %arg0, %mul3A : i32
    %add3A = arith.addi %mul3A_0, %arg1 : i32
    %mul3A_1 = arith.constant 256 : i32
    %mul3A_2 = arith.muli %arg1, %mul3A_1 : i32
    "tpu.region"() ({
      %run_scoped3A = tpu.sem_alloc : memref<!tpu.dma_semaphore, #tpu.memory_space<semaphore_mem>>
      %dma_start3A = arith.constant 0 : i32
      %dma_start3A_13 = tpu.memref_slice %arg11[%mul3A_2, %dma_start3A] : memref<4096x256xf32, #tpu.memory_space<vmem_shared>> -> memref<256x256xf32, #tpu.memory_space<vmem_shared>>
      tpu.enqueue_dma source(%arg5 : memref<256x256xf32, #tpu.memory_space<hbm>>) target(%dma_start3A_13 : memref<256x256xf32, #tpu.memory_space<vmem_shared>>) target_semaphore(%run_scoped3A : memref<!tpu.dma_semaphore, #tpu.memory_space<semaphore_mem>>)
      %dma_wait3A = arith.constant 0 : i32
      %dma_wait3A_14 = tpu.memref_slice %arg11[%mul3A_2, %dma_wait3A] : memref<4096x256xf32, #tpu.memory_space<vmem_shared>> -> memref<256x256xf32, #tpu.memory_space<vmem_shared>>
      tpu.wait_dma2 semaphore(%run_scoped3A : memref<!tpu.dma_semaphore, #tpu.memory_space<semaphore_mem>>) src(%arg5 : memref<256x256xf32, #tpu.memory_space<hbm>>) dst(%dma_wait3A_14 : memref<256x256xf32, #tpu.memory_space<vmem_shared>>)
      tpu.yield
    }) : () -> ()
    "tpu.region"() ({
      %run_scoped3A = tpu.sem_alloc : memref<!tpu.dma_semaphore, #tpu.memory_space<semaphore_mem>>
      %dma_start3A = arith.constant 0 : i32
      %dma_start3A_13 = arith.constant 0 : i32
      %dma_start3A_14 = tpu.memref_slice %arg3[%add3A, %dma_start3A, %dma_start3A_13] : memref<32x16x128xi32, #tpu.memory_space<hbm>> -> memref<1x16x128xi32, #tpu.memory_space<hbm>>
      %dma_start3A_15 = tpu.memref_squeeze %dma_start3A_14 : memref<1x16x128xi32, #tpu.memory_space<hbm>> -> memref<16x128xi32, #tpu.memory_space<hbm>>
      %dma_start3A_16 = arith.constant 0 : i32
      %dma_start3A_17 = arith.constant 0 : i32
      %dma_start3A_18 = tpu.memref_slice %arg3[%add3A, %dma_start3A_16, %dma_start3A_17] : memref<32x16x128xi32, #tpu.memory_space<hbm>> -> memref<1x16x128xi32, #tpu.memory_space<hbm>>
      %dma_start3A_19 = tpu.memref_squeeze %dma_start3A_18 : memref<1x16x128xi32, #tpu.memory_space<hbm>> -> memref<16x128xi32, #tpu.memory_space<hbm>>
      tpu.enqueue_dma source(%dma_start3A_19 : memref<16x128xi32, #tpu.memory_space<hbm>>) target(%arg7 : memref<16x128xi32, #tpu.memory_space<vmem>>) target_semaphore(%run_scoped3A : memref<!tpu.dma_semaphore, #tpu.memory_space<semaphore_mem>>)
      %dma_wait3A = arith.constant 0 : i32
      %dma_wait3A_20 = arith.constant 0 : i32
      %dma_wait3A_21 = tpu.memref_slice %arg3[%add3A, %dma_wait3A, %dma_wait3A_20] : memref<32x16x128xi32, #tpu.memory_space<hbm>> -> memref<1x16x128xi32, #tpu.memory_space<hbm>>
      %dma_wait3A_22 = tpu.memref_squeeze %dma_wait3A_21 : memref<1x16x128xi32, #tpu.memory_space<hbm>> -> memref<16x128xi32, #tpu.memory_space<hbm>>
      %dma_wait3A_23 = arith.constant 0 : i32
      %dma_wait3A_24 = arith.constant 0 : i32
      %dma_wait3A_25 = tpu.memref_slice %arg3[%add3A, %dma_wait3A_23, %dma_wait3A_24] : memref<32x16x128xi32, #tpu.memory_space<hbm>> -> memref<1x16x128xi32, #tpu.memory_space<hbm>>
      %dma_wait3A_26 = tpu.memref_squeeze %dma_wait3A_25 : memref<1x16x128xi32, #tpu.memory_space<hbm>> -> memref<16x128xi32, #tpu.memory_space<hbm>>
      tpu.wait_dma2 semaphore(%run_scoped3A : memref<!tpu.dma_semaphore, #tpu.memory_space<semaphore_mem>>) src(%dma_wait3A_26 : memref<16x128xi32, #tpu.memory_space<hbm>>) dst(%arg7 : memref<16x128xi32, #tpu.memory_space<vmem>>)
      tpu.yield
    }) : () -> ()
    "tpu.region"() ({
      %run_scoped3A = tpu.sem_alloc : memref<!tpu.dma_semaphore, #tpu.memory_space<semaphore_mem>>
      %dma_start3A = arith.constant 0 : i32
      %dma_start3A_13 = arith.constant 0 : i32
      %dma_start3A_14 = tpu.memref_slice %arg4[%add3A, %dma_start3A, %dma_start3A_13] : memref<32x16x128xi32, #tpu.memory_space<hbm>> -> memref<1x16x128xi32, #tpu.memory_space<hbm>>
      %dma_start3A_15 = tpu.memref_squeeze %dma_start3A_14 : memref<1x16x128xi32, #tpu.memory_space<hbm>> -> memref<16x128xi32, #tpu.memory_space<hbm>>
      %dma_start3A_16 = arith.constant 0 : i32
      %dma_start3A_17 = arith.constant 0 : i32
      %dma_start3A_18 = tpu.memref_slice %arg4[%add3A, %dma_start3A_16, %dma_start3A_17] : memref<32x16x128xi32, #tpu.memory_space<hbm>> -> memref<1x16x128xi32, #tpu.memory_space<hbm>>
      %dma_start3A_19 = tpu.memref_squeeze %dma_start3A_18 : memref<1x16x128xi32, #tpu.memory_space<hbm>> -> memref<16x128xi32, #tpu.memory_space<hbm>>
      tpu.enqueue_dma source(%dma_start3A_19 : memref<16x128xi32, #tpu.memory_space<hbm>>) target(%arg8 : memref<16x128xi32, #tpu.memory_space<vmem>>) target_semaphore(%run_scoped3A : memref<!tpu.dma_semaphore, #tpu.memory_space<semaphore_mem>>)
      %dma_wait3A = arith.constant 0 : i32
      %dma_wait3A_20 = arith.constant 0 : i32
      %dma_wait3A_21 = tpu.memref_slice %arg4[%add3A, %dma_wait3A, %dma_wait3A_20] : memref<32x16x128xi32, #tpu.memory_space<hbm>> -> memref<1x16x128xi32, #tpu.memory_space<hbm>>
      %dma_wait3A_22 = tpu.memref_squeeze %dma_wait3A_21 : memref<1x16x128xi32, #tpu.memory_space<hbm>> -> memref<16x128xi32, #tpu.memory_space<hbm>>
      %dma_wait3A_23 = arith.constant 0 : i32
      %dma_wait3A_24 = arith.constant 0 : i32
      %dma_wait3A_25 = tpu.memref_slice %arg4[%add3A, %dma_wait3A_23, %dma_wait3A_24] : memref<32x16x128xi32, #tpu.memory_space<hbm>> -> memref<1x16x128xi32, #tpu.memory_space<hbm>>
      %dma_wait3A_26 = tpu.memref_squeeze %dma_wait3A_25 : memref<1x16x128xi32, #tpu.memory_space<hbm>> -> memref<16x128xi32, #tpu.memory_space<hbm>>
      tpu.wait_dma2 semaphore(%run_scoped3A : memref<!tpu.dma_semaphore, #tpu.memory_space<semaphore_mem>>) src(%dma_wait3A_26 : memref<16x128xi32, #tpu.memory_space<hbm>>) dst(%arg8 : memref<16x128xi32, #tpu.memory_space<vmem>>)
      tpu.yield
    }) : () -> ()
    %barrier3A = arith.constant 0 : index
    tpu.barrier barrier_id(%barrier3A)
    %scan3A = arith.constant 0 : i32
    %scan3A_3 = arith.constant 0 : i32
    %scan3A_4 = arith.constant 16 : i32
    %scan3A_5 = arith.addi %scan3A_3, %scan3A_4 : i32
    %scan3A_6 = arith.constant 1 : i32
    scf.for %scan3A_13 = %scan3A_3 to %scan3A_5 step %scan3A_6  : i32 {
      %dma_start3A = arith.constant 0 : i32
      %dma_start3A_14 = tpu.memref_slice %arg7[%scan3A_13, %dma_start3A] : memref<16x128xi32, #tpu.memory_space<vmem>> -> memref<1x128xi32, #tpu.memory_space<vmem>>
      %dma_start3A_15 = tpu.memref_squeeze %dma_start3A_14 : memref<1x128xi32, #tpu.memory_space<vmem>> -> memref<128xi32, #tpu.memory_space<vmem>>
      %dma_start3A_16 = arith.constant 0 : i32
      %dma_start3A_17 = arith.constant 0 : i32
      %dma_start3A_18 = tpu.memref_slice %arg2[%dma_start3A_16, %dma_start3A_17] : memref<4096x256xf32, #tpu.memory_space<hbm>> -> memref<4096x256xf32, #tpu.memory_space<hbm>>
      tpu.enqueue_indirect_dma source(%dma_start3A_18 : memref<4096x256xf32, #tpu.memory_space<hbm>>) target(%arg9 : memref<128x256xf32, #tpu.memory_space<vmem>>) offsets(%dma_start3A_15 : memref<128xi32, #tpu.memory_space<vmem>>) semaphore(%arg12 : memref<!tpu.dma_semaphore, #tpu.memory_space<semaphore_mem>>)
      %dma_wait3A = arith.constant 0 : i32
      %dma_wait3A_19 = tpu.memref_slice %arg7[%scan3A_13, %dma_wait3A] : memref<16x128xi32, #tpu.memory_space<vmem>> -> memref<1x128xi32, #tpu.memory_space<vmem>>
      %dma_wait3A_20 = tpu.memref_squeeze %dma_wait3A_19 : memref<1x128xi32, #tpu.memory_space<vmem>> -> memref<128xi32, #tpu.memory_space<vmem>>
      %dma_wait3A_21 = arith.constant 0 : i32
      %dma_wait3A_22 = arith.constant 0 : i32
      %dma_wait3A_23 = tpu.memref_slice %arg2[%dma_wait3A_21, %dma_wait3A_22] : memref<4096x256xf32, #tpu.memory_space<hbm>> -> memref<4096x256xf32, #tpu.memory_space<hbm>>
      tpu.wait_indirect_dma semaphore(%arg12 : memref<!tpu.dma_semaphore, #tpu.memory_space<semaphore_mem>>) src(%dma_wait3A_23 : memref<4096x256xf32, #tpu.memory_space<hbm>>) dst(%arg9 : memref<128x256xf32, #tpu.memory_space<vmem>>)
      "tpu.region"() ({
        %run_scoped3A = tpu.sem_alloc : memref<!tpu.dma_semaphore, #tpu.memory_space<semaphore_mem>>
        %dma_start3A_24 = arith.constant 0 : i32
        %dma_start3A_25 = tpu.memref_slice %arg8[%scan3A_13, %dma_start3A_24] : memref<16x128xi32, #tpu.memory_space<vmem>> -> memref<1x128xi32, #tpu.memory_space<vmem>>
        %dma_start3A_26 = tpu.memref_squeeze %dma_start3A_25 : memref<1x128xi32, #tpu.memory_space<vmem>> -> memref<128xi32, #tpu.memory_space<vmem>>
        %dma_start3A_27 = arith.constant 0 : i32
        %dma_start3A_28 = arith.constant 0 : i32
        %dma_start3A_29 = tpu.memref_slice %arg11[%dma_start3A_27, %dma_start3A_28] : memref<4096x256xf32, #tpu.memory_space<vmem_shared>> -> memref<4096x256xf32, #tpu.memory_space<vmem_shared>>
        tpu.enqueue_indirect_dma source(%arg9 : memref<128x256xf32, #tpu.memory_space<vmem>>) target(%dma_start3A_29 : memref<4096x256xf32, #tpu.memory_space<vmem_shared>>) offsets(%dma_start3A_26 : memref<128xi32, #tpu.memory_space<vmem>>) semaphore(%run_scoped3A : memref<!tpu.dma_semaphore, #tpu.memory_space<semaphore_mem>>) {add = true}
        %dma_wait3A_30 = arith.constant 0 : i32
        %dma_wait3A_31 = tpu.memref_slice %arg8[%scan3A_13, %dma_wait3A_30] : memref<16x128xi32, #tpu.memory_space<vmem>> -> memref<1x128xi32, #tpu.memory_space<vmem>>
        %dma_wait3A_32 = tpu.memref_squeeze %dma_wait3A_31 : memref<1x128xi32, #tpu.memory_space<vmem>> -> memref<128xi32, #tpu.memory_space<vmem>>
        %dma_wait3A_33 = arith.constant 0 : i32
        %dma_wait3A_34 = arith.constant 0 : i32
        %dma_wait3A_35 = tpu.memref_slice %arg11[%dma_wait3A_33, %dma_wait3A_34] : memref<4096x256xf32, #tpu.memory_space<vmem_shared>> -> memref<4096x256xf32, #tpu.memory_space<vmem_shared>>
        tpu.wait_indirect_dma semaphore(%run_scoped3A : memref<!tpu.dma_semaphore, #tpu.memory_space<semaphore_mem>>) src(%arg9 : memref<128x256xf32, #tpu.memory_space<vmem>>) dst(%dma_wait3A_35 : memref<4096x256xf32, #tpu.memory_space<vmem_shared>>)
        tpu.yield
      }) : () -> ()
    }
    %scan3A_7 = arith.constant 16 : i32
    %barrier3A_8 = arith.constant 0 : index
    tpu.barrier barrier_id(%barrier3A_8)
    %mul3A_9 = arith.constant 256 : i32
    %mul3A_10 = arith.muli %arg1, %mul3A_9 : i32
    %mul3A_11 = arith.constant 256 : i32
    %mul3A_12 = arith.muli %arg1, %mul3A_11 : i32
    "tpu.region"() ({
      %run_scoped3A = tpu.sem_alloc : memref<!tpu.dma_semaphore, #tpu.memory_space<semaphore_mem>>
      %dma_start3A = arith.constant 0 : i32
      %dma_start3A_13 = tpu.memref_slice %arg6[%arg0, %mul3A_12, %dma_start3A] : memref<2x4096x256xf32, #tpu.memory_space<hbm>> -> memref<1x256x256xf32, #tpu.memory_space<hbm>>
      %dma_start3A_14 = tpu.memref_squeeze %dma_start3A_13 : memref<1x256x256xf32, #tpu.memory_space<hbm>> -> memref<256x256xf32, #tpu.memory_space<hbm>>
      %dma_start3A_15 = arith.constant 0 : i32
      %dma_start3A_16 = tpu.memref_slice %arg11[%mul3A_10, %dma_start3A_15] : memref<4096x256xf32, #tpu.memory_space<vmem_shared>> -> memref<256x256xf32, #tpu.memory_space<vmem_shared>>
      tpu.enqueue_dma source(%dma_start3A_16 : memref<256x256xf32, #tpu.memory_space<vmem_shared>>) target(%dma_start3A_14 : memref<256x256xf32, #tpu.memory_space<hbm>>) target_semaphore(%run_scoped3A : memref<!tpu.dma_semaphore, #tpu.memory_space<semaphore_mem>>)
      %dma_wait3A = arith.constant 0 : i32
      %dma_wait3A_17 = tpu.memref_slice %arg6[%arg0, %mul3A_12, %dma_wait3A] : memref<2x4096x256xf32, #tpu.memory_space<hbm>> -> memref<1x256x256xf32, #tpu.memory_space<hbm>>
      %dma_wait3A_18 = tpu.memref_squeeze %dma_wait3A_17 : memref<1x256x256xf32, #tpu.memory_space<hbm>> -> memref<256x256xf32, #tpu.memory_space<hbm>>
      %dma_wait3A_19 = arith.constant 0 : i32
      %dma_wait3A_20 = tpu.memref_slice %arg11[%mul3A_10, %dma_wait3A_19] : memref<4096x256xf32, #tpu.memory_space<vmem_shared>> -> memref<256x256xf32, #tpu.memory_space<vmem_shared>>
      tpu.wait_dma2 semaphore(%run_scoped3A : memref<!tpu.dma_semaphore, #tpu.memory_space<semaphore_mem>>) src(%dma_wait3A_20 : memref<256x256xf32, #tpu.memory_space<vmem_shared>>) dst(%dma_wait3A_18 : memref<256x256xf32, #tpu.memory_space<hbm>>)
      tpu.yield
    }) : () -> ()
    return
  }
}

#map = affine_map<(d0, d1) -> (0, 0)>
#map1 = affine_map<(d0, d1) -> (0, 0, 0)>
module attributes {stable_mosaic.version = 14 : i64} {
  func.func @body(%arg0: i32, %arg1: i32, %arg2: memref<4096x272xf32, #tpu.memory_space<hbm>>, %arg3: memref<32x16x128xi32, #tpu.memory_space<hbm>>, %arg4: memref<32x16x128xi32, #tpu.memory_space<hbm>>, %arg5: memref<256x272xf32, #tpu.memory_space<hbm>>, %arg6: memref<2x4096x272xf32, #tpu.memory_space<hbm>>, %arg7: memref<16x128xi32, #tpu.memory_space<vmem>>, %arg8: memref<16x128xi32, #tpu.memory_space<vmem>>, %arg9: memref<128x272xf32, #tpu.memory_space<vmem>>, %arg10: memref<128x272xf32, #tpu.memory_space<vmem>>, %arg11: memref<4096x272xf32, #tpu.memory_space<vmem_shared>>, %arg12: memref<!tpu.dma_semaphore, #tpu.memory_space<semaphore_mem>>, %arg13: memref<!tpu.dma_semaphore, #tpu.memory_space<semaphore_mem>>) attributes {dimension_semantics = [#tpu.dimension_semantics<core_parallel>, #tpu.dimension_semantics<subcore_parallel>], iteration_bounds = array<i64: 2, 16>, scalar_prefetch = 0 : i64, scratch_operands = 7 : i64, tpu.core_type = #tpu.core_type<sc_vector_subcore>, window_params = [{transform_indices = #map}, {transform_indices = #map1}, {transform_indices = #map1}, {transform_indices = #map}, {transform_indices = #map1}]} {
    %mul3A = arith.constant 16 : i32
    %mul3A_0 = arith.muli %arg0, %mul3A : i32
    %add3A = arith.addi %mul3A_0, %arg1 : i32
    %mul3A_1 = arith.constant 256 : i32
    %mul3A_2 = arith.muli %arg1, %mul3A_1 : i32
    "tpu.region"() ({
      %run_scoped3A = tpu.sem_alloc : memref<!tpu.dma_semaphore, #tpu.memory_space<semaphore_mem>>
      %dma_start3A = arith.constant 0 : i32
      %dma_start3A_13 = tpu.memref_slice %arg11[%mul3A_2, %dma_start3A] : memref<4096x272xf32, #tpu.memory_space<vmem_shared>> -> memref<256x272xf32, #tpu.memory_space<vmem_shared>>
      tpu.enqueue_dma source(%arg5 : memref<256x272xf32, #tpu.memory_space<hbm>>) target(%dma_start3A_13 : memref<256x272xf32, #tpu.memory_space<vmem_shared>>) target_semaphore(%run_scoped3A : memref<!tpu.dma_semaphore, #tpu.memory_space<semaphore_mem>>)
      %dma_wait3A = arith.constant 0 : i32
      %dma_wait3A_14 = tpu.memref_slice %arg11[%mul3A_2, %dma_wait3A] : memref<4096x272xf32, #tpu.memory_space<vmem_shared>> -> memref<256x272xf32, #tpu.memory_space<vmem_shared>>
      tpu.wait_dma2 semaphore(%run_scoped3A : memref<!tpu.dma_semaphore, #tpu.memory_space<semaphore_mem>>) src(%arg5 : memref<256x272xf32, #tpu.memory_space<hbm>>) dst(%dma_wait3A_14 : memref<256x272xf32, #tpu.memory_space<vmem_shared>>)
      tpu.yield
    }) : () -> ()
    "tpu.region"() ({
      %run_scoped3A = tpu.sem_alloc : memref<!tpu.dma_semaphore, #tpu.memory_space<semaphore_mem>>
      %dma_start3A = arith.constant 0 : i32
      %dma_start3A_13 = arith.constant 0 : i32
      %dma_start3A_14 = tpu.memref_slice %arg3[%add3A, %dma_start3A, %dma_start3A_13] : memref<32x16x128xi32, #tpu.memory_space<hbm>> -> memref<1x16x128xi32, #tpu.memory_space<hbm>>
      %dma_start3A_15 = tpu.memref_squeeze %dma_start3A_14 : memref<1x16x128xi32, #tpu.memory_space<hbm>> -> memref<16x128xi32, #tpu.memory_space<hbm>>
      %dma_start3A_16 = arith.constant 0 : i32
      %dma_start3A_17 = arith.constant 0 : i32
      %dma_start3A_18 = tpu.memref_slice %arg3[%add3A, %dma_start3A_16, %dma_start3A_17] : memref<32x16x128xi32, #tpu.memory_space<hbm>> -> memref<1x16x128xi32, #tpu.memory_space<hbm>>
      %dma_start3A_19 = tpu.memref_squeeze %dma_start3A_18 : memref<1x16x128xi32, #tpu.memory_space<hbm>> -> memref<16x128xi32, #tpu.memory_space<hbm>>
      tpu.enqueue_dma source(%dma_start3A_19 : memref<16x128xi32, #tpu.memory_space<hbm>>) target(%arg7 : memref<16x128xi32, #tpu.memory_space<vmem>>) target_semaphore(%run_scoped3A : memref<!tpu.dma_semaphore, #tpu.memory_space<semaphore_mem>>)
      %dma_wait3A = arith.constant 0 : i32
      %dma_wait3A_20 = arith.constant 0 : i32
      %dma_wait3A_21 = tpu.memref_slice %arg3[%add3A, %dma_wait3A, %dma_wait3A_20] : memref<32x16x128xi32, #tpu.memory_space<hbm>> -> memref<1x16x128xi32, #tpu.memory_space<hbm>>
      %dma_wait3A_22 = tpu.memref_squeeze %dma_wait3A_21 : memref<1x16x128xi32, #tpu.memory_space<hbm>> -> memref<16x128xi32, #tpu.memory_space<hbm>>
      %dma_wait3A_23 = arith.constant 0 : i32
      %dma_wait3A_24 = arith.constant 0 : i32
      %dma_wait3A_25 = tpu.memref_slice %arg3[%add3A, %dma_wait3A_23, %dma_wait3A_24] : memref<32x16x128xi32, #tpu.memory_space<hbm>> -> memref<1x16x128xi32, #tpu.memory_space<hbm>>
      %dma_wait3A_26 = tpu.memref_squeeze %dma_wait3A_25 : memref<1x16x128xi32, #tpu.memory_space<hbm>> -> memref<16x128xi32, #tpu.memory_space<hbm>>
      tpu.wait_dma2 semaphore(%run_scoped3A : memref<!tpu.dma_semaphore, #tpu.memory_space<semaphore_mem>>) src(%dma_wait3A_26 : memref<16x128xi32, #tpu.memory_space<hbm>>) dst(%arg7 : memref<16x128xi32, #tpu.memory_space<vmem>>)
      tpu.yield
    }) : () -> ()
    "tpu.region"() ({
      %run_scoped3A = tpu.sem_alloc : memref<!tpu.dma_semaphore, #tpu.memory_space<semaphore_mem>>
      %dma_start3A = arith.constant 0 : i32
      %dma_start3A_13 = arith.constant 0 : i32
      %dma_start3A_14 = tpu.memref_slice %arg4[%add3A, %dma_start3A, %dma_start3A_13] : memref<32x16x128xi32, #tpu.memory_space<hbm>> -> memref<1x16x128xi32, #tpu.memory_space<hbm>>
      %dma_start3A_15 = tpu.memref_squeeze %dma_start3A_14 : memref<1x16x128xi32, #tpu.memory_space<hbm>> -> memref<16x128xi32, #tpu.memory_space<hbm>>
      %dma_start3A_16 = arith.constant 0 : i32
      %dma_start3A_17 = arith.constant 0 : i32
      %dma_start3A_18 = tpu.memref_slice %arg4[%add3A, %dma_start3A_16, %dma_start3A_17] : memref<32x16x128xi32, #tpu.memory_space<hbm>> -> memref<1x16x128xi32, #tpu.memory_space<hbm>>
      %dma_start3A_19 = tpu.memref_squeeze %dma_start3A_18 : memref<1x16x128xi32, #tpu.memory_space<hbm>> -> memref<16x128xi32, #tpu.memory_space<hbm>>
      tpu.enqueue_dma source(%dma_start3A_19 : memref<16x128xi32, #tpu.memory_space<hbm>>) target(%arg8 : memref<16x128xi32, #tpu.memory_space<vmem>>) target_semaphore(%run_scoped3A : memref<!tpu.dma_semaphore, #tpu.memory_space<semaphore_mem>>)
      %dma_wait3A = arith.constant 0 : i32
      %dma_wait3A_20 = arith.constant 0 : i32
      %dma_wait3A_21 = tpu.memref_slice %arg4[%add3A, %dma_wait3A, %dma_wait3A_20] : memref<32x16x128xi32, #tpu.memory_space<hbm>> -> memref<1x16x128xi32, #tpu.memory_space<hbm>>
      %dma_wait3A_22 = tpu.memref_squeeze %dma_wait3A_21 : memref<1x16x128xi32, #tpu.memory_space<hbm>> -> memref<16x128xi32, #tpu.memory_space<hbm>>
      %dma_wait3A_23 = arith.constant 0 : i32
      %dma_wait3A_24 = arith.constant 0 : i32
      %dma_wait3A_25 = tpu.memref_slice %arg4[%add3A, %dma_wait3A_23, %dma_wait3A_24] : memref<32x16x128xi32, #tpu.memory_space<hbm>> -> memref<1x16x128xi32, #tpu.memory_space<hbm>>
      %dma_wait3A_26 = tpu.memref_squeeze %dma_wait3A_25 : memref<1x16x128xi32, #tpu.memory_space<hbm>> -> memref<16x128xi32, #tpu.memory_space<hbm>>
      tpu.wait_dma2 semaphore(%run_scoped3A : memref<!tpu.dma_semaphore, #tpu.memory_space<semaphore_mem>>) src(%dma_wait3A_26 : memref<16x128xi32, #tpu.memory_space<hbm>>) dst(%arg8 : memref<16x128xi32, #tpu.memory_space<vmem>>)
      tpu.yield
    }) : () -> ()
    %barrier3A = arith.constant 0 : index
    tpu.barrier barrier_id(%barrier3A)
    %scan3A = arith.constant 0 : i32
    %scan3A_3 = arith.constant 0 : i32
    %scan3A_4 = arith.constant 16 : i32
    %scan3A_5 = arith.addi %scan3A_3, %scan3A_4 : i32
    %scan3A_6 = arith.constant 1 : i32
    scf.for %scan3A_13 = %scan3A_3 to %scan3A_5 step %scan3A_6  : i32 {
      %dma_start3A = arith.constant 0 : i32
      %dma_start3A_14 = tpu.memref_slice %arg7[%scan3A_13, %dma_start3A] : memref<16x128xi32, #tpu.memory_space<vmem>> -> memref<1x128xi32, #tpu.memory_space<vmem>>
      %dma_start3A_15 = tpu.memref_squeeze %dma_start3A_14 : memref<1x128xi32, #tpu.memory_space<vmem>> -> memref<128xi32, #tpu.memory_space<vmem>>
      %dma_start3A_16 = arith.constant 0 : i32
      %dma_start3A_17 = arith.constant 0 : i32
      %dma_start3A_18 = tpu.memref_slice %arg2[%dma_start3A_16, %dma_start3A_17] : memref<4096x272xf32, #tpu.memory_space<hbm>> -> memref<4096x272xf32, #tpu.memory_space<hbm>>
      tpu.enqueue_indirect_dma source(%dma_start3A_18 : memref<4096x272xf32, #tpu.memory_space<hbm>>) target(%arg9 : memref<128x272xf32, #tpu.memory_space<vmem>>) offsets(%dma_start3A_15 : memref<128xi32, #tpu.memory_space<vmem>>) semaphore(%arg12 : memref<!tpu.dma_semaphore, #tpu.memory_space<semaphore_mem>>)
      %dma_wait3A = arith.constant 0 : i32
      %dma_wait3A_19 = tpu.memref_slice %arg7[%scan3A_13, %dma_wait3A] : memref<16x128xi32, #tpu.memory_space<vmem>> -> memref<1x128xi32, #tpu.memory_space<vmem>>
      %dma_wait3A_20 = tpu.memref_squeeze %dma_wait3A_19 : memref<1x128xi32, #tpu.memory_space<vmem>> -> memref<128xi32, #tpu.memory_space<vmem>>
      %dma_wait3A_21 = arith.constant 0 : i32
      %dma_wait3A_22 = arith.constant 0 : i32
      %dma_wait3A_23 = tpu.memref_slice %arg2[%dma_wait3A_21, %dma_wait3A_22] : memref<4096x272xf32, #tpu.memory_space<hbm>> -> memref<4096x272xf32, #tpu.memory_space<hbm>>
      tpu.wait_indirect_dma semaphore(%arg12 : memref<!tpu.dma_semaphore, #tpu.memory_space<semaphore_mem>>) src(%dma_wait3A_23 : memref<4096x272xf32, #tpu.memory_space<hbm>>) dst(%arg9 : memref<128x272xf32, #tpu.memory_space<vmem>>)
      "tpu.region"() ({
        %run_scoped3A = tpu.sem_alloc : memref<!tpu.dma_semaphore, #tpu.memory_space<semaphore_mem>>
        %dma_start3A_24 = arith.constant 0 : i32
        %dma_start3A_25 = tpu.memref_slice %arg8[%scan3A_13, %dma_start3A_24] : memref<16x128xi32, #tpu.memory_space<vmem>> -> memref<1x128xi32, #tpu.memory_space<vmem>>
        %dma_start3A_26 = tpu.memref_squeeze %dma_start3A_25 : memref<1x128xi32, #tpu.memory_space<vmem>> -> memref<128xi32, #tpu.memory_space<vmem>>
        %dma_start3A_27 = arith.constant 0 : i32
        %dma_start3A_28 = arith.constant 0 : i32
        %dma_start3A_29 = tpu.memref_slice %arg11[%dma_start3A_27, %dma_start3A_28] : memref<4096x272xf32, #tpu.memory_space<vmem_shared>> -> memref<4096x272xf32, #tpu.memory_space<vmem_shared>>
        tpu.enqueue_indirect_dma source(%arg9 : memref<128x272xf32, #tpu.memory_space<vmem>>) target(%dma_start3A_29 : memref<4096x272xf32, #tpu.memory_space<vmem_shared>>) offsets(%dma_start3A_26 : memref<128xi32, #tpu.memory_space<vmem>>) semaphore(%run_scoped3A : memref<!tpu.dma_semaphore, #tpu.memory_space<semaphore_mem>>) {add = true}
        %dma_wait3A_30 = arith.constant 0 : i32
        %dma_wait3A_31 = tpu.memref_slice %arg8[%scan3A_13, %dma_wait3A_30] : memref<16x128xi32, #tpu.memory_space<vmem>> -> memref<1x128xi32, #tpu.memory_space<vmem>>
        %dma_wait3A_32 = tpu.memref_squeeze %dma_wait3A_31 : memref<1x128xi32, #tpu.memory_space<vmem>> -> memref<128xi32, #tpu.memory_space<vmem>>
        %dma_wait3A_33 = arith.constant 0 : i32
        %dma_wait3A_34 = arith.constant 0 : i32
        %dma_wait3A_35 = tpu.memref_slice %arg11[%dma_wait3A_33, %dma_wait3A_34] : memref<4096x272xf32, #tpu.memory_space<vmem_shared>> -> memref<4096x272xf32, #tpu.memory_space<vmem_shared>>
        tpu.wait_indirect_dma semaphore(%run_scoped3A : memref<!tpu.dma_semaphore, #tpu.memory_space<semaphore_mem>>) src(%arg9 : memref<128x272xf32, #tpu.memory_space<vmem>>) dst(%dma_wait3A_35 : memref<4096x272xf32, #tpu.memory_space<vmem_shared>>)
        tpu.yield
      }) : () -> ()
    }
    %scan3A_7 = arith.constant 16 : i32
    %barrier3A_8 = arith.constant 0 : index
    tpu.barrier barrier_id(%barrier3A_8)
    %mul3A_9 = arith.constant 256 : i32
    %mul3A_10 = arith.muli %arg1, %mul3A_9 : i32
    %mul3A_11 = arith.constant 256 : i32
    %mul3A_12 = arith.muli %arg1, %mul3A_11 : i32
    "tpu.region"() ({
      %run_scoped3A = tpu.sem_alloc : memref<!tpu.dma_semaphore, #tpu.memory_space<semaphore_mem>>
      %dma_start3A = arith.constant 0 : i32
      %dma_start3A_13 = tpu.memref_slice %arg6[%arg0, %mul3A_12, %dma_start3A] : memref<2x4096x272xf32, #tpu.memory_space<hbm>> -> memref<1x256x272xf32, #tpu.memory_space<hbm>>
      %dma_start3A_14 = tpu.memref_squeeze %dma_start3A_13 : memref<1x256x272xf32, #tpu.memory_space<hbm>> -> memref<256x272xf32, #tpu.memory_space<hbm>>
      %dma_start3A_15 = arith.constant 0 : i32
      %dma_start3A_16 = tpu.memref_slice %arg11[%mul3A_10, %dma_start3A_15] : memref<4096x272xf32, #tpu.memory_space<vmem_shared>> -> memref<256x272xf32, #tpu.memory_space<vmem_shared>>
      tpu.enqueue_dma source(%dma_start3A_16 : memref<256x272xf32, #tpu.memory_space<vmem_shared>>) target(%dma_start3A_14 : memref<256x272xf32, #tpu.memory_space<hbm>>) target_semaphore(%run_scoped3A : memref<!tpu.dma_semaphore, #tpu.memory_space<semaphore_mem>>)
      %dma_wait3A = arith.constant 0 : i32
      %dma_wait3A_17 = tpu.memref_slice %arg6[%arg0, %mul3A_12, %dma_wait3A] : memref<2x4096x272xf32, #tpu.memory_space<hbm>> -> memref<1x256x272xf32, #tpu.memory_space<hbm>>
      %dma_wait3A_18 = tpu.memref_squeeze %dma_wait3A_17 : memref<1x256x272xf32, #tpu.memory_space<hbm>> -> memref<256x272xf32, #tpu.memory_space<hbm>>
      %dma_wait3A_19 = arith.constant 0 : i32
      %dma_wait3A_20 = tpu.memref_slice %arg11[%mul3A_10, %dma_wait3A_19] : memref<4096x272xf32, #tpu.memory_space<vmem_shared>> -> memref<256x272xf32, #tpu.memory_space<vmem_shared>>
      tpu.wait_dma2 semaphore(%run_scoped3A : memref<!tpu.dma_semaphore, #tpu.memory_space<semaphore_mem>>) src(%dma_wait3A_20 : memref<256x272xf32, #tpu.memory_space<vmem_shared>>) dst(%dma_wait3A_18 : memref<256x272xf32, #tpu.memory_space<hbm>>)
      tpu.yield
    }) : () -> ()
    return
  }
}

#map = affine_map<(d0, d1) -> (0, 0)>
#map1 = affine_map<(d0, d1) -> (0, 0, 0)>
module attributes {stable_mosaic.version = 14 : i64} {
  func.func @body(%arg0: i32, %arg1: i32, %arg2: memref<4096x32xf32, #tpu.memory_space<hbm>>, %arg3: memref<32x16x128xi32, #tpu.memory_space<hbm>>, %arg4: memref<32x16x128xi32, #tpu.memory_space<hbm>>, %arg5: memref<256x32xf32, #tpu.memory_space<hbm>>, %arg6: memref<2x4096x32xf32, #tpu.memory_space<hbm>>, %arg7: memref<16x128xi32, #tpu.memory_space<vmem>>, %arg8: memref<16x128xi32, #tpu.memory_space<vmem>>, %arg9: memref<128x32xf32, #tpu.memory_space<vmem>>, %arg10: memref<128x32xf32, #tpu.memory_space<vmem>>, %arg11: memref<4096x32xf32, #tpu.memory_space<vmem_shared>>, %arg12: memref<!tpu.dma_semaphore, #tpu.memory_space<semaphore_mem>>, %arg13: memref<!tpu.dma_semaphore, #tpu.memory_space<semaphore_mem>>) attributes {dimension_semantics = [#tpu.dimension_semantics<core_parallel>, #tpu.dimension_semantics<subcore_parallel>], iteration_bounds = array<i64: 2, 16>, scalar_prefetch = 0 : i64, scratch_operands = 7 : i64, tpu.core_type = #tpu.core_type<sc_vector_subcore>, window_params = [{transform_indices = #map}, {transform_indices = #map1}, {transform_indices = #map1}, {transform_indices = #map}, {transform_indices = #map1}]} {
    %mul3A = arith.constant 16 : i32
    %mul3A_0 = arith.muli %arg0, %mul3A : i32
    %add3A = arith.addi %mul3A_0, %arg1 : i32
    %mul3A_1 = arith.constant 256 : i32
    %mul3A_2 = arith.muli %arg1, %mul3A_1 : i32
    "tpu.region"() ({
      %run_scoped3A = tpu.sem_alloc : memref<!tpu.dma_semaphore, #tpu.memory_space<semaphore_mem>>
      %dma_start3A = arith.constant 0 : i32
      %dma_start3A_13 = tpu.memref_slice %arg11[%mul3A_2, %dma_start3A] : memref<4096x32xf32, #tpu.memory_space<vmem_shared>> -> memref<256x32xf32, #tpu.memory_space<vmem_shared>>
      tpu.enqueue_dma source(%arg5 : memref<256x32xf32, #tpu.memory_space<hbm>>) target(%dma_start3A_13 : memref<256x32xf32, #tpu.memory_space<vmem_shared>>) target_semaphore(%run_scoped3A : memref<!tpu.dma_semaphore, #tpu.memory_space<semaphore_mem>>)
      %dma_wait3A = arith.constant 0 : i32
      %dma_wait3A_14 = tpu.memref_slice %arg11[%mul3A_2, %dma_wait3A] : memref<4096x32xf32, #tpu.memory_space<vmem_shared>> -> memref<256x32xf32, #tpu.memory_space<vmem_shared>>
      tpu.wait_dma2 semaphore(%run_scoped3A : memref<!tpu.dma_semaphore, #tpu.memory_space<semaphore_mem>>) src(%arg5 : memref<256x32xf32, #tpu.memory_space<hbm>>) dst(%dma_wait3A_14 : memref<256x32xf32, #tpu.memory_space<vmem_shared>>)
      tpu.yield
    }) : () -> ()
    "tpu.region"() ({
      %run_scoped3A = tpu.sem_alloc : memref<!tpu.dma_semaphore, #tpu.memory_space<semaphore_mem>>
      %dma_start3A = arith.constant 0 : i32
      %dma_start3A_13 = arith.constant 0 : i32
      %dma_start3A_14 = tpu.memref_slice %arg3[%add3A, %dma_start3A, %dma_start3A_13] : memref<32x16x128xi32, #tpu.memory_space<hbm>> -> memref<1x16x128xi32, #tpu.memory_space<hbm>>
      %dma_start3A_15 = tpu.memref_squeeze %dma_start3A_14 : memref<1x16x128xi32, #tpu.memory_space<hbm>> -> memref<16x128xi32, #tpu.memory_space<hbm>>
      %dma_start3A_16 = arith.constant 0 : i32
      %dma_start3A_17 = arith.constant 0 : i32
      %dma_start3A_18 = tpu.memref_slice %arg3[%add3A, %dma_start3A_16, %dma_start3A_17] : memref<32x16x128xi32, #tpu.memory_space<hbm>> -> memref<1x16x128xi32, #tpu.memory_space<hbm>>
      %dma_start3A_19 = tpu.memref_squeeze %dma_start3A_18 : memref<1x16x128xi32, #tpu.memory_space<hbm>> -> memref<16x128xi32, #tpu.memory_space<hbm>>
      tpu.enqueue_dma source(%dma_start3A_19 : memref<16x128xi32, #tpu.memory_space<hbm>>) target(%arg7 : memref<16x128xi32, #tpu.memory_space<vmem>>) target_semaphore(%run_scoped3A : memref<!tpu.dma_semaphore, #tpu.memory_space<semaphore_mem>>)
      %dma_wait3A = arith.constant 0 : i32
      %dma_wait3A_20 = arith.constant 0 : i32
      %dma_wait3A_21 = tpu.memref_slice %arg3[%add3A, %dma_wait3A, %dma_wait3A_20] : memref<32x16x128xi32, #tpu.memory_space<hbm>> -> memref<1x16x128xi32, #tpu.memory_space<hbm>>
      %dma_wait3A_22 = tpu.memref_squeeze %dma_wait3A_21 : memref<1x16x128xi32, #tpu.memory_space<hbm>> -> memref<16x128xi32, #tpu.memory_space<hbm>>
      %dma_wait3A_23 = arith.constant 0 : i32
      %dma_wait3A_24 = arith.constant 0 : i32
      %dma_wait3A_25 = tpu.memref_slice %arg3[%add3A, %dma_wait3A_23, %dma_wait3A_24] : memref<32x16x128xi32, #tpu.memory_space<hbm>> -> memref<1x16x128xi32, #tpu.memory_space<hbm>>
      %dma_wait3A_26 = tpu.memref_squeeze %dma_wait3A_25 : memref<1x16x128xi32, #tpu.memory_space<hbm>> -> memref<16x128xi32, #tpu.memory_space<hbm>>
      tpu.wait_dma2 semaphore(%run_scoped3A : memref<!tpu.dma_semaphore, #tpu.memory_space<semaphore_mem>>) src(%dma_wait3A_26 : memref<16x128xi32, #tpu.memory_space<hbm>>) dst(%arg7 : memref<16x128xi32, #tpu.memory_space<vmem>>)
      tpu.yield
    }) : () -> ()
    "tpu.region"() ({
      %run_scoped3A = tpu.sem_alloc : memref<!tpu.dma_semaphore, #tpu.memory_space<semaphore_mem>>
      %dma_start3A = arith.constant 0 : i32
      %dma_start3A_13 = arith.constant 0 : i32
      %dma_start3A_14 = tpu.memref_slice %arg4[%add3A, %dma_start3A, %dma_start3A_13] : memref<32x16x128xi32, #tpu.memory_space<hbm>> -> memref<1x16x128xi32, #tpu.memory_space<hbm>>
      %dma_start3A_15 = tpu.memref_squeeze %dma_start3A_14 : memref<1x16x128xi32, #tpu.memory_space<hbm>> -> memref<16x128xi32, #tpu.memory_space<hbm>>
      %dma_start3A_16 = arith.constant 0 : i32
      %dma_start3A_17 = arith.constant 0 : i32
      %dma_start3A_18 = tpu.memref_slice %arg4[%add3A, %dma_start3A_16, %dma_start3A_17] : memref<32x16x128xi32, #tpu.memory_space<hbm>> -> memref<1x16x128xi32, #tpu.memory_space<hbm>>
      %dma_start3A_19 = tpu.memref_squeeze %dma_start3A_18 : memref<1x16x128xi32, #tpu.memory_space<hbm>> -> memref<16x128xi32, #tpu.memory_space<hbm>>
      tpu.enqueue_dma source(%dma_start3A_19 : memref<16x128xi32, #tpu.memory_space<hbm>>) target(%arg8 : memref<16x128xi32, #tpu.memory_space<vmem>>) target_semaphore(%run_scoped3A : memref<!tpu.dma_semaphore, #tpu.memory_space<semaphore_mem>>)
      %dma_wait3A = arith.constant 0 : i32
      %dma_wait3A_20 = arith.constant 0 : i32
      %dma_wait3A_21 = tpu.memref_slice %arg4[%add3A, %dma_wait3A, %dma_wait3A_20] : memref<32x16x128xi32, #tpu.memory_space<hbm>> -> memref<1x16x128xi32, #tpu.memory_space<hbm>>
      %dma_wait3A_22 = tpu.memref_squeeze %dma_wait3A_21 : memref<1x16x128xi32, #tpu.memory_space<hbm>> -> memref<16x128xi32, #tpu.memory_space<hbm>>
      %dma_wait3A_23 = arith.constant 0 : i32
      %dma_wait3A_24 = arith.constant 0 : i32
      %dma_wait3A_25 = tpu.memref_slice %arg4[%add3A, %dma_wait3A_23, %dma_wait3A_24] : memref<32x16x128xi32, #tpu.memory_space<hbm>> -> memref<1x16x128xi32, #tpu.memory_space<hbm>>
      %dma_wait3A_26 = tpu.memref_squeeze %dma_wait3A_25 : memref<1x16x128xi32, #tpu.memory_space<hbm>> -> memref<16x128xi32, #tpu.memory_space<hbm>>
      tpu.wait_dma2 semaphore(%run_scoped3A : memref<!tpu.dma_semaphore, #tpu.memory_space<semaphore_mem>>) src(%dma_wait3A_26 : memref<16x128xi32, #tpu.memory_space<hbm>>) dst(%arg8 : memref<16x128xi32, #tpu.memory_space<vmem>>)
      tpu.yield
    }) : () -> ()
    %barrier3A = arith.constant 0 : index
    tpu.barrier barrier_id(%barrier3A)
    %scan3A = arith.constant 0 : i32
    %scan3A_3 = arith.constant 0 : i32
    %scan3A_4 = arith.constant 16 : i32
    %scan3A_5 = arith.addi %scan3A_3, %scan3A_4 : i32
    %scan3A_6 = arith.constant 1 : i32
    scf.for %scan3A_13 = %scan3A_3 to %scan3A_5 step %scan3A_6  : i32 {
      %dma_start3A = arith.constant 0 : i32
      %dma_start3A_14 = tpu.memref_slice %arg7[%scan3A_13, %dma_start3A] : memref<16x128xi32, #tpu.memory_space<vmem>> -> memref<1x128xi32, #tpu.memory_space<vmem>>
      %dma_start3A_15 = tpu.memref_squeeze %dma_start3A_14 : memref<1x128xi32, #tpu.memory_space<vmem>> -> memref<128xi32, #tpu.memory_space<vmem>>
      %dma_start3A_16 = arith.constant 0 : i32
      %dma_start3A_17 = arith.constant 0 : i32
      %dma_start3A_18 = tpu.memref_slice %arg2[%dma_start3A_16, %dma_start3A_17] : memref<4096x32xf32, #tpu.memory_space<hbm>> -> memref<4096x32xf32, #tpu.memory_space<hbm>>
      tpu.enqueue_indirect_dma source(%dma_start3A_18 : memref<4096x32xf32, #tpu.memory_space<hbm>>) target(%arg9 : memref<128x32xf32, #tpu.memory_space<vmem>>) offsets(%dma_start3A_15 : memref<128xi32, #tpu.memory_space<vmem>>) semaphore(%arg12 : memref<!tpu.dma_semaphore, #tpu.memory_space<semaphore_mem>>)
      %dma_wait3A = arith.constant 0 : i32
      %dma_wait3A_19 = tpu.memref_slice %arg7[%scan3A_13, %dma_wait3A] : memref<16x128xi32, #tpu.memory_space<vmem>> -> memref<1x128xi32, #tpu.memory_space<vmem>>
      %dma_wait3A_20 = tpu.memref_squeeze %dma_wait3A_19 : memref<1x128xi32, #tpu.memory_space<vmem>> -> memref<128xi32, #tpu.memory_space<vmem>>
      %dma_wait3A_21 = arith.constant 0 : i32
      %dma_wait3A_22 = arith.constant 0 : i32
      %dma_wait3A_23 = tpu.memref_slice %arg2[%dma_wait3A_21, %dma_wait3A_22] : memref<4096x32xf32, #tpu.memory_space<hbm>> -> memref<4096x32xf32, #tpu.memory_space<hbm>>
      tpu.wait_indirect_dma semaphore(%arg12 : memref<!tpu.dma_semaphore, #tpu.memory_space<semaphore_mem>>) src(%dma_wait3A_23 : memref<4096x32xf32, #tpu.memory_space<hbm>>) dst(%arg9 : memref<128x32xf32, #tpu.memory_space<vmem>>)
      "tpu.region"() ({
        %run_scoped3A = tpu.sem_alloc : memref<!tpu.dma_semaphore, #tpu.memory_space<semaphore_mem>>
        %dma_start3A_24 = arith.constant 0 : i32
        %dma_start3A_25 = tpu.memref_slice %arg8[%scan3A_13, %dma_start3A_24] : memref<16x128xi32, #tpu.memory_space<vmem>> -> memref<1x128xi32, #tpu.memory_space<vmem>>
        %dma_start3A_26 = tpu.memref_squeeze %dma_start3A_25 : memref<1x128xi32, #tpu.memory_space<vmem>> -> memref<128xi32, #tpu.memory_space<vmem>>
        %dma_start3A_27 = arith.constant 0 : i32
        %dma_start3A_28 = arith.constant 0 : i32
        %dma_start3A_29 = tpu.memref_slice %arg11[%dma_start3A_27, %dma_start3A_28] : memref<4096x32xf32, #tpu.memory_space<vmem_shared>> -> memref<4096x32xf32, #tpu.memory_space<vmem_shared>>
        tpu.enqueue_indirect_dma source(%arg9 : memref<128x32xf32, #tpu.memory_space<vmem>>) target(%dma_start3A_29 : memref<4096x32xf32, #tpu.memory_space<vmem_shared>>) offsets(%dma_start3A_26 : memref<128xi32, #tpu.memory_space<vmem>>) semaphore(%run_scoped3A : memref<!tpu.dma_semaphore, #tpu.memory_space<semaphore_mem>>) {add = true}
        %dma_wait3A_30 = arith.constant 0 : i32
        %dma_wait3A_31 = tpu.memref_slice %arg8[%scan3A_13, %dma_wait3A_30] : memref<16x128xi32, #tpu.memory_space<vmem>> -> memref<1x128xi32, #tpu.memory_space<vmem>>
        %dma_wait3A_32 = tpu.memref_squeeze %dma_wait3A_31 : memref<1x128xi32, #tpu.memory_space<vmem>> -> memref<128xi32, #tpu.memory_space<vmem>>
        %dma_wait3A_33 = arith.constant 0 : i32
        %dma_wait3A_34 = arith.constant 0 : i32
        %dma_wait3A_35 = tpu.memref_slice %arg11[%dma_wait3A_33, %dma_wait3A_34] : memref<4096x32xf32, #tpu.memory_space<vmem_shared>> -> memref<4096x32xf32, #tpu.memory_space<vmem_shared>>
        tpu.wait_indirect_dma semaphore(%run_scoped3A : memref<!tpu.dma_semaphore, #tpu.memory_space<semaphore_mem>>) src(%arg9 : memref<128x32xf32, #tpu.memory_space<vmem>>) dst(%dma_wait3A_35 : memref<4096x32xf32, #tpu.memory_space<vmem_shared>>)
        tpu.yield
      }) : () -> ()
    }
    %scan3A_7 = arith.constant 16 : i32
    %barrier3A_8 = arith.constant 0 : index
    tpu.barrier barrier_id(%barrier3A_8)
    %mul3A_9 = arith.constant 256 : i32
    %mul3A_10 = arith.muli %arg1, %mul3A_9 : i32
    %mul3A_11 = arith.constant 256 : i32
    %mul3A_12 = arith.muli %arg1, %mul3A_11 : i32
    "tpu.region"() ({
      %run_scoped3A = tpu.sem_alloc : memref<!tpu.dma_semaphore, #tpu.memory_space<semaphore_mem>>
      %dma_start3A = arith.constant 0 : i32
      %dma_start3A_13 = tpu.memref_slice %arg6[%arg0, %mul3A_12, %dma_start3A] : memref<2x4096x32xf32, #tpu.memory_space<hbm>> -> memref<1x256x32xf32, #tpu.memory_space<hbm>>
      %dma_start3A_14 = tpu.memref_squeeze %dma_start3A_13 : memref<1x256x32xf32, #tpu.memory_space<hbm>> -> memref<256x32xf32, #tpu.memory_space<hbm>>
      %dma_start3A_15 = arith.constant 0 : i32
      %dma_start3A_16 = tpu.memref_slice %arg11[%mul3A_10, %dma_start3A_15] : memref<4096x32xf32, #tpu.memory_space<vmem_shared>> -> memref<256x32xf32, #tpu.memory_space<vmem_shared>>
      tpu.enqueue_dma source(%dma_start3A_16 : memref<256x32xf32, #tpu.memory_space<vmem_shared>>) target(%dma_start3A_14 : memref<256x32xf32, #tpu.memory_space<hbm>>) target_semaphore(%run_scoped3A : memref<!tpu.dma_semaphore, #tpu.memory_space<semaphore_mem>>)
      %dma_wait3A = arith.constant 0 : i32
      %dma_wait3A_17 = tpu.memref_slice %arg6[%arg0, %mul3A_12, %dma_wait3A] : memref<2x4096x32xf32, #tpu.memory_space<hbm>> -> memref<1x256x32xf32, #tpu.memory_space<hbm>>
      %dma_wait3A_18 = tpu.memref_squeeze %dma_wait3A_17 : memref<1x256x32xf32, #tpu.memory_space<hbm>> -> memref<256x32xf32, #tpu.memory_space<hbm>>
      %dma_wait3A_19 = arith.constant 0 : i32
      %dma_wait3A_20 = tpu.memref_slice %arg11[%mul3A_10, %dma_wait3A_19] : memref<4096x32xf32, #tpu.memory_space<vmem_shared>> -> memref<256x32xf32, #tpu.memory_space<vmem_shared>>
      tpu.wait_dma2 semaphore(%run_scoped3A : memref<!tpu.dma_semaphore, #tpu.memory_space<semaphore_mem>>) src(%dma_wait3A_20 : memref<256x32xf32, #tpu.memory_space<vmem_shared>>) dst(%dma_wait3A_18 : memref<256x32xf32, #tpu.memory_space<hbm>>)
      tpu.yield
    }) : () -> ()
    return
  }
}

module attributes {stable_mosaic.version = 14 : i64} {
  func.func @_enc_in_body(%arg0: i32, %arg1: memref<512x128xf32, #tpu.memory_space<vmem>>, %arg2: memref<128x256xf32, #tpu.memory_space<vmem>>, %arg3: memref<1x256xf32, #tpu.memory_space<vmem>>, %arg4: memref<512x272xf32, #tpu.memory_space<vmem>>) attributes {dimension_semantics = [#tpu.dimension_semantics<arbitrary>], iteration_bounds = array<i64: 8>, scalar_prefetch = 0 : i64, scratch_operands = 0 : i64, tpu.core_type = #tpu.core_type<tc>, window_params = [{transform_indices = @transform_0, window_bounds = array<i64: 512, 128>}, {pipeline_mode = #tpu.pipeline_mode<synchronous>, transform_indices = @transform_1, window_bounds = array<i64: 128, 256>}, {pipeline_mode = #tpu.pipeline_mode<synchronous>, transform_indices = @transform_2, window_bounds = array<i64: 1, 256>}, {transform_indices = @transform_3, window_bounds = array<i64: 512, 272>}]} {
    %get3A = arith.constant 0 : index
    %get3A_0 = arith.constant 0 : index
    %get3A_1 = vector.load %arg1[%get3A, %get3A_0] : memref<512x128xf32, #tpu.memory_space<vmem>>, vector<512x128xf32>
    %mul3A = arith.mulf %get3A_1, %get3A_1 : vector<512x128xf32>
    %reduce_sum3A = arith.constant dense<0.000000e+00> : vector<512xf32>
    %reduce_sum3A_2 = vector.multi_reduction <add>, %mul3A, %reduce_sum3A [1] : vector<512x128xf32> to vector<512xf32>
    %broadcast_in_dim3A = vector.shape_cast %reduce_sum3A_2 : vector<512xf32> to vector<512x1xf32>
    %sqrt3A = math.sqrt %broadcast_in_dim3A : vector<512x1xf32>
    %max3A = arith.constant 9.99999974E-6 : f32
    %max3A_3 = vector.broadcast %max3A : f32 to vector<512x1xf32>
    %max3A_4 = arith.maximumf %sqrt3A, %max3A_3 : vector<512x1xf32>
    %exp3A = math.exp %max3A_4 : vector<512x1xf32>
    %div3A = arith.constant 1.000000e+00 : f32
    %div3A_5 = vector.broadcast %div3A : f32 to vector<512x1xf32>
    %div3A_6 = arith.divf %div3A_5, %exp3A : vector<512x1xf32>
    %add3A = arith.addf %exp3A, %div3A_6 : vector<512x1xf32>
    %mul3A_7 = arith.constant 5.000000e-01 : f32
    %mul3A_8 = vector.broadcast %mul3A_7 : f32 to vector<512x1xf32>
    %mul3A_9 = arith.mulf %mul3A_8, %add3A : vector<512x1xf32>
    %sub3A = arith.subf %exp3A, %div3A_6 : vector<512x1xf32>
    %mul3A_10 = arith.constant 5.000000e-01 : f32
    %mul3A_11 = vector.broadcast %mul3A_10 : f32 to vector<512x1xf32>
    %mul3A_12 = arith.mulf %mul3A_11, %sub3A : vector<512x1xf32>
    %div3A_13 = arith.divf %mul3A_12, %max3A_4 : vector<512x1xf32>
    %mul3A_14 = vector.broadcast %div3A_13 : vector<512x1xf32> to vector<512x128xf32>
    %mul3A_15 = arith.mulf %mul3A_14, %get3A_1 : vector<512x128xf32>
    %mul3A_16 = arith.mulf %mul3A_15, %mul3A_15 : vector<512x128xf32>
    %reduce_sum3A_17 = arith.constant dense<0.000000e+00> : vector<512xf32>
    %reduce_sum3A_18 = vector.multi_reduction <add>, %mul3A_16, %reduce_sum3A_17 [1] : vector<512x128xf32> to vector<512xf32>
    %broadcast_in_dim3A_19 = vector.shape_cast %reduce_sum3A_18 : vector<512xf32> to vector<512x1xf32>
    %sqrt3A_20 = math.sqrt %broadcast_in_dim3A_19 : vector<512x1xf32>
    %max3A_21 = arith.constant 9.99999974E-6 : f32
    %max3A_22 = vector.broadcast %max3A_21 : f32 to vector<512x1xf32>
    %max3A_23 = arith.maximumf %sqrt3A_20, %max3A_22 : vector<512x1xf32>
    %max3A_24 = arith.constant 1.000010e+00 : f32
    %max3A_25 = vector.broadcast %max3A_24 : f32 to vector<512x1xf32>
    %max3A_26 = arith.maximumf %mul3A_9, %max3A_25 : vector<512x1xf32>
    %add3A_27 = arith.constant 1.000000e+00 : f32
    %add3A_28 = vector.broadcast %add3A_27 : f32 to vector<512x1xf32>
    %add3A_29 = arith.addf %max3A_26, %add3A_28 : vector<512x1xf32>
    %sqrt3A_30 = math.sqrt %add3A_29 : vector<512x1xf32>
    %sub3A_31 = arith.constant 1.000000e+00 : f32
    %sub3A_32 = vector.broadcast %sub3A_31 : f32 to vector<512x1xf32>
    %sub3A_33 = arith.subf %max3A_26, %sub3A_32 : vector<512x1xf32>
    %sqrt3A_34 = math.sqrt %sub3A_33 : vector<512x1xf32>
    %mul3A_35 = arith.mulf %sqrt3A_30, %sqrt3A_34 : vector<512x1xf32>
    %add3A_36 = arith.addf %max3A_26, %mul3A_35 : vector<512x1xf32>
    %log3A = math.log %add3A_36 : vector<512x1xf32>
    %div3A_37 = arith.divf %log3A, %max3A_23 : vector<512x1xf32>
    %mul3A_38 = vector.broadcast %div3A_37 : vector<512x1xf32> to vector<512x128xf32>
    %mul3A_39 = arith.mulf %mul3A_38, %mul3A_15 : vector<512x128xf32>
    %get3A_40 = arith.constant 0 : index
    %get3A_41 = arith.constant 0 : index
    %get3A_42 = vector.load %arg2[%get3A_40, %get3A_41] : memref<128x256xf32, #tpu.memory_space<vmem>>, vector<128x256xf32>
    %dot_general3A = arith.constant dense<0.000000e+00> : vector<512x256xf32>
    %dot_general3A_43 = tpu.matmul %mul3A_39, %get3A_42, %dot_general3A {dimension_numbers = #tpu.dot_dimension_numbers<[1], [0], [0], [1], [0, 0, 1, 1], [], []>, transpose_lhs_hint = false} : vector<512x128xf32>, vector<128x256xf32>, vector<512x256xf32> -> vector<512x256xf32>
    %get3A_44 = arith.constant 0 : index
    %get3A_45 = arith.constant 0 : index
    %get3A_46 = vector.load %arg3[%get3A_44, %get3A_45] : memref<1x256xf32, #tpu.memory_space<vmem>>, vector<1x256xf32>
    %add3A_47 = vector.broadcast %get3A_46 : vector<1x256xf32> to vector<512x256xf32>
    %add3A_48 = arith.addf %dot_general3A_43, %add3A_47 : vector<512x256xf32>
    %broadcast_in_dim3A_49 = arith.constant 1.000000e+00 : f32
    %broadcast_in_dim3A_50 = vector.broadcast %broadcast_in_dim3A_49 : f32 to vector<512x1xf32>
    %broadcast_in_dim3A_51 = arith.constant 0.000000e+00 : f32
    %broadcast_in_dim3A_52 = vector.broadcast %broadcast_in_dim3A_51 : f32 to vector<512x15xf32>
    %concatenate3A = tpu.concatenate %add3A_48, %broadcast_in_dim3A_50, %broadcast_in_dim3A_52 in 1 : vector<512x256xf32>, vector<512x1xf32>, vector<512x15xf32> -> vector<512x272xf32>
    %swap3A = arith.constant 0 : index
    %swap3A_53 = arith.constant 0 : index
    %swap3A_54 = vector.load %arg4[%swap3A, %swap3A_53] : memref<512x272xf32, #tpu.memory_space<vmem>>, vector<512x272xf32>
    tpu.vector_store %arg4[%swap3A, %swap3A_53], %concatenate3A {strides = array<i32>} : memref<512x272xf32, #tpu.memory_space<vmem>>, vector<512x272xf32>,
    return
  }
  func.func @transform_0(%arg0: i32) -> (i32, i32) {
    %c0_i32 = arith.constant 0 : i32
    %c0_i32_0 = arith.constant 0 : i32
    return %arg0, %c0_i32 : i32, i32
  }
  func.func @transform_1(%arg0: i32) -> (i32, i32) {
    %c0_i32 = arith.constant 0 : i32
    %c0_i32_0 = arith.constant 0 : i32
    %c0_i32_1 = arith.constant 0 : i32
    return %c0_i32, %c0_i32_0 : i32, i32
  }
  func.func @transform_2(%arg0: i32) -> (i32, i32) {
    %c0_i32 = arith.constant 0 : i32
    %c0_i32_0 = arith.constant 0 : i32
    %c0_i32_1 = arith.constant 0 : i32
    return %c0_i32, %c0_i32_0 : i32, i32
  }
  func.func @transform_3(%arg0: i32) -> (i32, i32) {
    %c0_i32 = arith.constant 0 : i32
    %c0_i32_0 = arith.constant 0 : i32
    return %arg0, %c0_i32 : i32, i32
  }
}

module attributes {stable_mosaic.version = 14 : i64} {
  func.func @_mid1_body(%arg0: i32, %arg1: memref<512x272xf32, #tpu.memory_space<vmem>>, %arg2: memref<1x512x272xf32, #tpu.memory_space<vmem>>, %arg3: memref<1x512x272xf32, #tpu.memory_space<vmem>>, %arg4: memref<255x256xf32, #tpu.memory_space<vmem>>, %arg5: memref<1x256xf32, #tpu.memory_space<vmem>>, %arg6: memref<512x256xf32, #tpu.memory_space<vmem>>, %arg7: memref<512x8xf32, #tpu.memory_space<vmem>>) attributes {dimension_semantics = [#tpu.dimension_semantics<arbitrary>], iteration_bounds = array<i64: 8>, scalar_prefetch = 0 : i64, scratch_operands = 0 : i64, tpu.core_type = #tpu.core_type<tc>, window_params = [{transform_indices = @transform_0, window_bounds = array<i64: 512, 272>}, {transform_indices = @transform_1, window_bounds = array<i64: 1, 512, 272>}, {transform_indices = @transform_2, window_bounds = array<i64: 1, 512, 272>}, {pipeline_mode = #tpu.pipeline_mode<synchronous>, transform_indices = @transform_3, window_bounds = array<i64: 255, 256>}, {pipeline_mode = #tpu.pipeline_mode<synchronous>, transform_indices = @transform_4, window_bounds = array<i64: 1, 256>}, {transform_indices = @transform_5, window_bounds = array<i64: 512, 256>}, {transform_indices = @transform_6, window_bounds = array<i64: 512, 8>}]} {
    %get3A = arith.constant 0 : index
    %get3A_0 = arith.constant 0 : index
    %get3A_1 = arith.constant 0 : index
    %get3A_2 = vector.load %arg2[%get3A, %get3A_0, %get3A_1] : memref<1x512x272xf32, #tpu.memory_space<vmem>>, vector<1x512x272xf32>
    %get3A_3 = vector.shape_cast %get3A_2 : vector<1x512x272xf32> to vector<512x272xf32>
    %get3A_4 = arith.constant 0 : index
    %get3A_5 = arith.constant 0 : index
    %get3A_6 = arith.constant 0 : index
    %get3A_7 = vector.load %arg3[%get3A_4, %get3A_5, %get3A_6] : memref<1x512x272xf32, #tpu.memory_space<vmem>>, vector<1x512x272xf32>
    %get3A_8 = vector.shape_cast %get3A_7 : vector<1x512x272xf32> to vector<512x272xf32>
    %add3A = arith.addf %get3A_3, %get3A_8 : vector<512x272xf32>
    %slice3A = vector.extract_strided_slice %add3A {offsets = [0, 256], sizes = [512, 1], strides = [1, 1]} : vector<512x272xf32> to vector<512x1xf32>
    %max3A = arith.constant 1.000000e+00 : f32
    %max3A_9 = vector.broadcast %max3A : f32 to vector<512x1xf32>
    %max3A_10 = arith.maximumf %slice3A, %max3A_9 : vector<512x1xf32>
    %get3A_11 = arith.constant 0 : index
    %get3A_12 = arith.constant 0 : index
    %get3A_13 = vector.load %arg1[%get3A_11, %get3A_12] : memref<512x272xf32, #tpu.memory_space<vmem>>, vector<512x256xf32>
    %slice3A_14 = vector.extract_strided_slice %add3A {offsets = [0, 0], sizes = [512, 256], strides = [1, 1]} : vector<512x272xf32> to vector<512x256xf32>
    %div3A = vector.broadcast %max3A_10 : vector<512x1xf32> to vector<512x256xf32>
    %div3A_15 = arith.divf %slice3A_14, %div3A : vector<512x256xf32>
    %add3A_16 = arith.addf %get3A_13, %div3A_15 : vector<512x256xf32>
    %slice3A_17 = vector.extract_strided_slice %add3A_16 {offsets = [0, 1], sizes = [512, 255], strides = [1, 1]} : vector<512x256xf32> to vector<512x255xf32>
    %mul3A = arith.mulf %slice3A_17, %slice3A_17 : vector<512x255xf32>
    %reduce_sum3A = arith.constant dense<0.000000e+00> : vector<512xf32>
    %reduce_sum3A_18 = vector.multi_reduction <add>, %mul3A, %reduce_sum3A [1] : vector<512x255xf32> to vector<512xf32>
    %broadcast_in_dim3A = vector.shape_cast %reduce_sum3A_18 : vector<512xf32> to vector<512x1xf32>
    %sqrt3A = math.sqrt %broadcast_in_dim3A : vector<512x1xf32>
    %max3A_19 = arith.constant 9.99999974E-6 : f32
    %max3A_20 = vector.broadcast %max3A_19 : f32 to vector<512x1xf32>
    %max3A_21 = arith.maximumf %sqrt3A, %max3A_20 : vector<512x1xf32>
    %exp3A = math.exp %max3A_21 : vector<512x1xf32>
    %div3A_22 = arith.constant 1.000000e+00 : f32
    %div3A_23 = vector.broadcast %div3A_22 : f32 to vector<512x1xf32>
    %div3A_24 = arith.divf %div3A_23, %exp3A : vector<512x1xf32>
    %add3A_25 = arith.addf %exp3A, %div3A_24 : vector<512x1xf32>
    %mul3A_26 = arith.constant 5.000000e-01 : f32
    %mul3A_27 = vector.broadcast %mul3A_26 : f32 to vector<512x1xf32>
    %mul3A_28 = arith.mulf %mul3A_27, %add3A_25 : vector<512x1xf32>
    %sub3A = arith.subf %exp3A, %div3A_24 : vector<512x1xf32>
    %mul3A_29 = arith.constant 5.000000e-01 : f32
    %mul3A_30 = vector.broadcast %mul3A_29 : f32 to vector<512x1xf32>
    %mul3A_31 = arith.mulf %mul3A_30, %sub3A : vector<512x1xf32>
    %div3A_32 = arith.divf %mul3A_31, %max3A_21 : vector<512x1xf32>
    %mul3A_33 = vector.broadcast %div3A_32 : vector<512x1xf32> to vector<512x255xf32>
    %mul3A_34 = arith.mulf %mul3A_33, %slice3A_17 : vector<512x255xf32>
    %mul3A_35 = arith.mulf %mul3A_34, %mul3A_34 : vector<512x255xf32>
    %reduce_sum3A_36 = arith.constant dense<0.000000e+00> : vector<512xf32>
    %reduce_sum3A_37 = vector.multi_reduction <add>, %mul3A_35, %reduce_sum3A_36 [1] : vector<512x255xf32> to vector<512xf32>
    %broadcast_in_dim3A_38 = vector.shape_cast %reduce_sum3A_37 : vector<512xf32> to vector<512x1xf32>
    %sqrt3A_39 = math.sqrt %broadcast_in_dim3A_38 : vector<512x1xf32>
    %max3A_40 = arith.constant 9.99999974E-6 : f32
    %max3A_41 = vector.broadcast %max3A_40 : f32 to vector<512x1xf32>
    %max3A_42 = arith.maximumf %sqrt3A_39, %max3A_41 : vector<512x1xf32>
    %max3A_43 = arith.constant 1.000010e+00 : f32
    %max3A_44 = vector.broadcast %max3A_43 : f32 to vector<512x1xf32>
    %max3A_45 = arith.maximumf %mul3A_28, %max3A_44 : vector<512x1xf32>
    %add3A_46 = arith.constant 1.000000e+00 : f32
    %add3A_47 = vector.broadcast %add3A_46 : f32 to vector<512x1xf32>
    %add3A_48 = arith.addf %max3A_45, %add3A_47 : vector<512x1xf32>
    %sqrt3A_49 = math.sqrt %add3A_48 : vector<512x1xf32>
    %sub3A_50 = arith.constant 1.000000e+00 : f32
    %sub3A_51 = vector.broadcast %sub3A_50 : f32 to vector<512x1xf32>
    %sub3A_52 = arith.subf %max3A_45, %sub3A_51 : vector<512x1xf32>
    %sqrt3A_53 = math.sqrt %sub3A_52 : vector<512x1xf32>
    %mul3A_54 = arith.mulf %sqrt3A_49, %sqrt3A_53 : vector<512x1xf32>
    %add3A_55 = arith.addf %max3A_45, %mul3A_54 : vector<512x1xf32>
    %log3A = math.log %add3A_55 : vector<512x1xf32>
    %div3A_56 = arith.divf %log3A, %max3A_42 : vector<512x1xf32>
    %mul3A_57 = vector.broadcast %div3A_56 : vector<512x1xf32> to vector<512x255xf32>
    %mul3A_58 = arith.mulf %mul3A_57, %mul3A_34 : vector<512x255xf32>
    %get3A_59 = arith.constant 0 : index
    %get3A_60 = arith.constant 0 : index
    %get3A_61 = vector.load %arg4[%get3A_59, %get3A_60] : memref<255x256xf32, #tpu.memory_space<vmem>>, vector<255x256xf32>
    %dot_general3A = arith.constant dense<0.000000e+00> : vector<512x256xf32>
    %dot_general3A_62 = tpu.matmul %mul3A_58, %get3A_61, %dot_general3A {dimension_numbers = #tpu.dot_dimension_numbers<[1], [0], [0], [1], [0, 0, 1, 1], [], []>, transpose_lhs_hint = false} : vector<512x255xf32>, vector<255x256xf32>, vector<512x256xf32> -> vector<512x256xf32>
    %get3A_63 = arith.constant 0 : index
    %get3A_64 = arith.constant 0 : index
    %get3A_65 = vector.load %arg5[%get3A_63, %get3A_64] : memref<1x256xf32, #tpu.memory_space<vmem>>, vector<1x256xf32>
    %add3A_66 = vector.broadcast %get3A_65 : vector<1x256xf32> to vector<512x256xf32>
    %add3A_67 = arith.addf %dot_general3A_62, %add3A_66 : vector<512x256xf32>
    %swap3A = arith.constant 0 : index
    %swap3A_68 = arith.constant 0 : index
    %swap3A_69 = vector.load %arg6[%swap3A, %swap3A_68] : memref<512x256xf32, #tpu.memory_space<vmem>>, vector<512x256xf32>
    tpu.vector_store %arg6[%swap3A, %swap3A_68], %add3A_67 {strides = array<i32>} : memref<512x256xf32, #tpu.memory_space<vmem>>, vector<512x256xf32>,
    %broadcast_in_dim3A_70 = vector.shape_cast %max3A_10 : vector<512x1xf32> to vector<512x1xf32>
    %broadcast_in_dim3A_71 = vector.broadcast %broadcast_in_dim3A_70 : vector<512x1xf32> to vector<512x8xf32>
    %swap3A_72 = arith.constant 0 : index
    %swap3A_73 = arith.constant 0 : index
    %swap3A_74 = vector.load %arg7[%swap3A_72, %swap3A_73] : memref<512x8xf32, #tpu.memory_space<vmem>>, vector<512x8xf32>
    tpu.vector_store %arg7[%swap3A_72, %swap3A_73], %broadcast_in_dim3A_71 {strides = array<i32>} : memref<512x8xf32, #tpu.memory_space<vmem>>, vector<512x8xf32>,
    return
  }
  func.func @transform_0(%arg0: i32) -> (i32, i32) {
    %c0_i32 = arith.constant 0 : i32
    %c0_i32_0 = arith.constant 0 : i32
    return %arg0, %c0_i32 : i32, i32
  }
  func.func @transform_1(%arg0: i32) -> (i32, i32, i32) {
    %c0_i32 = arith.constant 0 : i32
    %c0_i32_0 = arith.constant 0 : i32
    %c0_i32_1 = arith.constant 0 : i32
    return %c0_i32, %arg0, %c0_i32_0 : i32, i32, i32
  }
  func.func @transform_2(%arg0: i32) -> (i32, i32, i32) {
    %c1_i32 = arith.constant 1 : i32
    %c0_i32 = arith.constant 0 : i32
    %c0_i32_0 = arith.constant 0 : i32
    return %c1_i32, %arg0, %c0_i32 : i32, i32, i32
  }
  func.func @transform_3(%arg0: i32) -> (i32, i32) {
    %c0_i32 = arith.constant 0 : i32
    %c0_i32_0 = arith.constant 0 : i32
    %c0_i32_1 = arith.constant 0 : i32
    return %c0_i32, %c0_i32_0 : i32, i32
  }
  func.func @transform_4(%arg0: i32) -> (i32, i32) {
    %c0_i32 = arith.constant 0 : i32
    %c0_i32_0 = arith.constant 0 : i32
    %c0_i32_1 = arith.constant 0 : i32
    return %c0_i32, %c0_i32_0 : i32, i32
  }
  func.func @transform_5(%arg0: i32) -> (i32, i32) {
    %c0_i32 = arith.constant 0 : i32
    %c0_i32_0 = arith.constant 0 : i32
    return %arg0, %c0_i32 : i32, i32
  }
  func.func @transform_6(%arg0: i32) -> (i32, i32) {
    %c0_i32 = arith.constant 0 : i32
    %c0_i32_0 = arith.constant 0 : i32
    return %arg0, %c0_i32 : i32, i32
  }
}

module attributes {stable_mosaic.version = 14 : i64} {
  func.func @_mid2_body(%arg0: i32, %arg1: memref<512x256xf32, #tpu.memory_space<vmem>>, %arg2: memref<1x512x256xf32, #tpu.memory_space<vmem>>, %arg3: memref<1x512x256xf32, #tpu.memory_space<vmem>>, %arg4: memref<512x8xf32, #tpu.memory_space<vmem>>, %arg5: memref<255x32xf32, #tpu.memory_space<vmem>>, %arg6: memref<1x32xf32, #tpu.memory_space<vmem>>, %arg7: memref<512x32xf32, #tpu.memory_space<vmem>>) attributes {dimension_semantics = [#tpu.dimension_semantics<arbitrary>], iteration_bounds = array<i64: 8>, scalar_prefetch = 0 : i64, scratch_operands = 0 : i64, tpu.core_type = #tpu.core_type<tc>, window_params = [{transform_indices = @transform_0, window_bounds = array<i64: 512, 256>}, {transform_indices = @transform_1, window_bounds = array<i64: 1, 512, 256>}, {transform_indices = @transform_2, window_bounds = array<i64: 1, 512, 256>}, {transform_indices = @transform_3, window_bounds = array<i64: 512, 8>}, {pipeline_mode = #tpu.pipeline_mode<synchronous>, transform_indices = @transform_4, window_bounds = array<i64: 255, 32>}, {pipeline_mode = #tpu.pipeline_mode<synchronous>, transform_indices = @transform_5, window_bounds = array<i64: 1, 32>}, {transform_indices = @transform_6, window_bounds = array<i64: 512, 32>}]} {
    %get3A = arith.constant 0 : index
    %get3A_0 = arith.constant 0 : index
    %get3A_1 = arith.constant 0 : index
    %get3A_2 = vector.load %arg2[%get3A, %get3A_0, %get3A_1] : memref<1x512x256xf32, #tpu.memory_space<vmem>>, vector<1x512x256xf32>
    %get3A_3 = vector.shape_cast %get3A_2 : vector<1x512x256xf32> to vector<512x256xf32>
    %get3A_4 = arith.constant 0 : index
    %get3A_5 = arith.constant 0 : index
    %get3A_6 = arith.constant 0 : index
    %get3A_7 = vector.load %arg3[%get3A_4, %get3A_5, %get3A_6] : memref<1x512x256xf32, #tpu.memory_space<vmem>>, vector<1x512x256xf32>
    %get3A_8 = vector.shape_cast %get3A_7 : vector<1x512x256xf32> to vector<512x256xf32>
    %add3A = arith.addf %get3A_3, %get3A_8 : vector<512x256xf32>
    %get3A_9 = arith.constant 0 : index
    %get3A_10 = arith.constant 0 : index
    %get3A_11 = vector.load %arg4[%get3A_9, %get3A_10] : memref<512x8xf32, #tpu.memory_space<vmem>>, vector<512x1xf32>
    %get3A_12 = arith.constant 0 : index
    %get3A_13 = arith.constant 0 : index
    %get3A_14 = vector.load %arg1[%get3A_12, %get3A_13] : memref<512x256xf32, #tpu.memory_space<vmem>>, vector<512x256xf32>
    %div3A = vector.broadcast %get3A_11 : vector<512x1xf32> to vector<512x256xf32>
    %div3A_15 = arith.divf %add3A, %div3A : vector<512x256xf32>
    %add3A_16 = arith.addf %get3A_14, %div3A_15 : vector<512x256xf32>
    %max3A = arith.constant 0.000000e+00 : f32
    %max3A_17 = vector.broadcast %max3A : f32 to vector<512x256xf32>
    %max3A_18 = arith.maximumf %add3A_16, %max3A_17 : vector<512x256xf32>
    %slice3A = vector.extract_strided_slice %max3A_18 {offsets = [0, 1], sizes = [512, 255], strides = [1, 1]} : vector<512x256xf32> to vector<512x255xf32>
    %mul3A = arith.mulf %slice3A, %slice3A : vector<512x255xf32>
    %reduce_sum3A = arith.constant dense<0.000000e+00> : vector<512xf32>
    %reduce_sum3A_19 = vector.multi_reduction <add>, %mul3A, %reduce_sum3A [1] : vector<512x255xf32> to vector<512xf32>
    %broadcast_in_dim3A = vector.shape_cast %reduce_sum3A_19 : vector<512xf32> to vector<512x1xf32>
    %sqrt3A = math.sqrt %broadcast_in_dim3A : vector<512x1xf32>
    %max3A_20 = arith.constant 9.99999974E-6 : f32
    %max3A_21 = vector.broadcast %max3A_20 : f32 to vector<512x1xf32>
    %max3A_22 = arith.maximumf %sqrt3A, %max3A_21 : vector<512x1xf32>
    %exp3A = math.exp %max3A_22 : vector<512x1xf32>
    %div3A_23 = arith.constant 1.000000e+00 : f32
    %div3A_24 = vector.broadcast %div3A_23 : f32 to vector<512x1xf32>
    %div3A_25 = arith.divf %div3A_24, %exp3A : vector<512x1xf32>
    %add3A_26 = arith.addf %exp3A, %div3A_25 : vector<512x1xf32>
    %mul3A_27 = arith.constant 5.000000e-01 : f32
    %mul3A_28 = vector.broadcast %mul3A_27 : f32 to vector<512x1xf32>
    %mul3A_29 = arith.mulf %mul3A_28, %add3A_26 : vector<512x1xf32>
    %sub3A = arith.subf %exp3A, %div3A_25 : vector<512x1xf32>
    %mul3A_30 = arith.constant 5.000000e-01 : f32
    %mul3A_31 = vector.broadcast %mul3A_30 : f32 to vector<512x1xf32>
    %mul3A_32 = arith.mulf %mul3A_31, %sub3A : vector<512x1xf32>
    %div3A_33 = arith.divf %mul3A_32, %max3A_22 : vector<512x1xf32>
    %mul3A_34 = vector.broadcast %div3A_33 : vector<512x1xf32> to vector<512x255xf32>
    %mul3A_35 = arith.mulf %mul3A_34, %slice3A : vector<512x255xf32>
    %mul3A_36 = arith.mulf %mul3A_35, %mul3A_35 : vector<512x255xf32>
    %reduce_sum3A_37 = arith.constant dense<0.000000e+00> : vector<512xf32>
    %reduce_sum3A_38 = vector.multi_reduction <add>, %mul3A_36, %reduce_sum3A_37 [1] : vector<512x255xf32> to vector<512xf32>
    %broadcast_in_dim3A_39 = vector.shape_cast %reduce_sum3A_38 : vector<512xf32> to vector<512x1xf32>
    %sqrt3A_40 = math.sqrt %broadcast_in_dim3A_39 : vector<512x1xf32>
    %max3A_41 = arith.constant 9.99999974E-6 : f32
    %max3A_42 = vector.broadcast %max3A_41 : f32 to vector<512x1xf32>
    %max3A_43 = arith.maximumf %sqrt3A_40, %max3A_42 : vector<512x1xf32>
    %max3A_44 = arith.constant 1.000010e+00 : f32
    %max3A_45 = vector.broadcast %max3A_44 : f32 to vector<512x1xf32>
    %max3A_46 = arith.maximumf %mul3A_29, %max3A_45 : vector<512x1xf32>
    %add3A_47 = arith.constant 1.000000e+00 : f32
    %add3A_48 = vector.broadcast %add3A_47 : f32 to vector<512x1xf32>
    %add3A_49 = arith.addf %max3A_46, %add3A_48 : vector<512x1xf32>
    %sqrt3A_50 = math.sqrt %add3A_49 : vector<512x1xf32>
    %sub3A_51 = arith.constant 1.000000e+00 : f32
    %sub3A_52 = vector.broadcast %sub3A_51 : f32 to vector<512x1xf32>
    %sub3A_53 = arith.subf %max3A_46, %sub3A_52 : vector<512x1xf32>
    %sqrt3A_54 = math.sqrt %sub3A_53 : vector<512x1xf32>
    %mul3A_55 = arith.mulf %sqrt3A_50, %sqrt3A_54 : vector<512x1xf32>
    %add3A_56 = arith.addf %max3A_46, %mul3A_55 : vector<512x1xf32>
    %log3A = math.log %add3A_56 : vector<512x1xf32>
    %div3A_57 = arith.divf %log3A, %max3A_43 : vector<512x1xf32>
    %mul3A_58 = vector.broadcast %div3A_57 : vector<512x1xf32> to vector<512x255xf32>
    %mul3A_59 = arith.mulf %mul3A_58, %mul3A_35 : vector<512x255xf32>
    %get3A_60 = arith.constant 0 : index
    %get3A_61 = arith.constant 0 : index
    %get3A_62 = vector.load %arg5[%get3A_60, %get3A_61] : memref<255x32xf32, #tpu.memory_space<vmem>>, vector<255x32xf32>
    %dot_general3A = arith.constant dense<0.000000e+00> : vector<512x32xf32>
    %dot_general3A_63 = tpu.matmul %mul3A_59, %get3A_62, %dot_general3A {dimension_numbers = #tpu.dot_dimension_numbers<[1], [0], [0], [1], [0, 0, 1, 1], [], []>, transpose_lhs_hint = false} : vector<512x255xf32>, vector<255x32xf32>, vector<512x32xf32> -> vector<512x32xf32>
    %get3A_64 = arith.constant 0 : index
    %get3A_65 = arith.constant 0 : index
    %get3A_66 = vector.load %arg6[%get3A_64, %get3A_65] : memref<1x32xf32, #tpu.memory_space<vmem>>, vector<1x32xf32>
    %add3A_67 = vector.broadcast %get3A_66 : vector<1x32xf32> to vector<512x32xf32>
    %add3A_68 = arith.addf %dot_general3A_63, %add3A_67 : vector<512x32xf32>
    %swap3A = arith.constant 0 : index
    %swap3A_69 = arith.constant 0 : index
    %swap3A_70 = vector.load %arg7[%swap3A, %swap3A_69] : memref<512x32xf32, #tpu.memory_space<vmem>>, vector<512x32xf32>
    tpu.vector_store %arg7[%swap3A, %swap3A_69], %add3A_68 {strides = array<i32>} : memref<512x32xf32, #tpu.memory_space<vmem>>, vector<512x32xf32>,
    return
  }
  func.func @transform_0(%arg0: i32) -> (i32, i32) {
    %c0_i32 = arith.constant 0 : i32
    %c0_i32_0 = arith.constant 0 : i32
    return %arg0, %c0_i32 : i32, i32
  }
  func.func @transform_1(%arg0: i32) -> (i32, i32, i32) {
    %c0_i32 = arith.constant 0 : i32
    %c0_i32_0 = arith.constant 0 : i32
    %c0_i32_1 = arith.constant 0 : i32
    return %c0_i32, %arg0, %c0_i32_0 : i32, i32, i32
  }
  func.func @transform_2(%arg0: i32) -> (i32, i32, i32) {
    %c1_i32 = arith.constant 1 : i32
    %c0_i32 = arith.constant 0 : i32
    %c0_i32_0 = arith.constant 0 : i32
    return %c1_i32, %arg0, %c0_i32 : i32, i32, i32
  }
  func.func @transform_3(%arg0: i32) -> (i32, i32) {
    %c0_i32 = arith.constant 0 : i32
    %c0_i32_0 = arith.constant 0 : i32
    return %arg0, %c0_i32 : i32, i32
  }
  func.func @transform_4(%arg0: i32) -> (i32, i32) {
    %c0_i32 = arith.constant 0 : i32
    %c0_i32_0 = arith.constant 0 : i32
    %c0_i32_1 = arith.constant 0 : i32
    return %c0_i32, %c0_i32_0 : i32, i32
  }
  func.func @transform_5(%arg0: i32) -> (i32, i32) {
    %c0_i32 = arith.constant 0 : i32
    %c0_i32_0 = arith.constant 0 : i32
    %c0_i32_1 = arith.constant 0 : i32
    return %c0_i32, %c0_i32_0 : i32, i32
  }
  func.func @transform_6(%arg0: i32) -> (i32, i32) {
    %c0_i32 = arith.constant 0 : i32
    %c0_i32_0 = arith.constant 0 : i32
    return %arg0, %c0_i32 : i32, i32
  }
}

module attributes {stable_mosaic.version = 14 : i64} {
  func.func @_fin_body(%arg0: i32, %arg1: memref<512x32xf32, #tpu.memory_space<vmem>>, %arg2: memref<1x512x32xf32, #tpu.memory_space<vmem>>, %arg3: memref<1x512x32xf32, #tpu.memory_space<vmem>>, %arg4: memref<512x8xf32, #tpu.memory_space<vmem>>, %arg5: memref<1x1xf32, #tpu.memory_space<vmem>>, %arg6: memref<512x32xf32, #tpu.memory_space<vmem>>) attributes {dimension_semantics = [#tpu.dimension_semantics<arbitrary>], iteration_bounds = array<i64: 8>, scalar_prefetch = 0 : i64, scratch_operands = 0 : i64, tpu.core_type = #tpu.core_type<tc>, window_params = [{transform_indices = @transform_0, window_bounds = array<i64: 512, 32>}, {transform_indices = @transform_1, window_bounds = array<i64: 1, 512, 32>}, {transform_indices = @transform_2, window_bounds = array<i64: 1, 512, 32>}, {transform_indices = @transform_3, window_bounds = array<i64: 512, 8>}, {pipeline_mode = #tpu.pipeline_mode<synchronous>, transform_indices = @transform_4, window_bounds = array<i64: 1, 1>}, {transform_indices = @transform_5, window_bounds = array<i64: 512, 32>}]} {
    %get3A = arith.constant 0 : index
    %get3A_0 = arith.constant 0 : index
    %get3A_1 = arith.constant 0 : index
    %get3A_2 = vector.load %arg2[%get3A, %get3A_0, %get3A_1] : memref<1x512x32xf32, #tpu.memory_space<vmem>>, vector<1x512x32xf32>
    %get3A_3 = vector.shape_cast %get3A_2 : vector<1x512x32xf32> to vector<512x32xf32>
    %get3A_4 = arith.constant 0 : index
    %get3A_5 = arith.constant 0 : index
    %get3A_6 = arith.constant 0 : index
    %get3A_7 = vector.load %arg3[%get3A_4, %get3A_5, %get3A_6] : memref<1x512x32xf32, #tpu.memory_space<vmem>>, vector<1x512x32xf32>
    %get3A_8 = vector.shape_cast %get3A_7 : vector<1x512x32xf32> to vector<512x32xf32>
    %add3A = arith.addf %get3A_3, %get3A_8 : vector<512x32xf32>
    %get3A_9 = arith.constant 0 : index
    %get3A_10 = arith.constant 0 : index
    %get3A_11 = vector.load %arg4[%get3A_9, %get3A_10] : memref<512x8xf32, #tpu.memory_space<vmem>>, vector<512x1xf32>
    %get3A_12 = arith.constant 0 : index
    %get3A_13 = arith.constant 0 : index
    %get3A_14 = vector.load %arg1[%get3A_12, %get3A_13] : memref<512x32xf32, #tpu.memory_space<vmem>>, vector<512x32xf32>
    %div3A = vector.broadcast %get3A_11 : vector<512x1xf32> to vector<512x32xf32>
    %div3A_15 = arith.divf %add3A, %div3A : vector<512x32xf32>
    %add3A_16 = arith.addf %get3A_14, %div3A_15 : vector<512x32xf32>
    %max3A = arith.constant 0.000000e+00 : f32
    %max3A_17 = vector.broadcast %max3A : f32 to vector<512x32xf32>
    %max3A_18 = arith.maximumf %add3A_16, %max3A_17 : vector<512x32xf32>
    %slice3A = vector.extract_strided_slice %max3A_18 {offsets = [0, 1], sizes = [512, 16], strides = [1, 1]} : vector<512x32xf32> to vector<512x16xf32>
    %mul3A = arith.mulf %slice3A, %slice3A : vector<512x16xf32>
    %reduce_sum3A = arith.constant dense<0.000000e+00> : vector<512xf32>
    %reduce_sum3A_19 = vector.multi_reduction <add>, %mul3A, %reduce_sum3A [1] : vector<512x16xf32> to vector<512xf32>
    %broadcast_in_dim3A = vector.shape_cast %reduce_sum3A_19 : vector<512xf32> to vector<512x1xf32>
    %sqrt3A = math.sqrt %broadcast_in_dim3A : vector<512x1xf32>
    %max3A_20 = arith.constant 9.99999974E-6 : f32
    %max3A_21 = vector.broadcast %max3A_20 : f32 to vector<512x1xf32>
    %max3A_22 = arith.maximumf %sqrt3A, %max3A_21 : vector<512x1xf32>
    %exp3A = math.exp %max3A_22 : vector<512x1xf32>
    %div3A_23 = arith.constant 1.000000e+00 : f32
    %div3A_24 = vector.broadcast %div3A_23 : f32 to vector<512x1xf32>
    %div3A_25 = arith.divf %div3A_24, %exp3A : vector<512x1xf32>
    %add3A_26 = arith.addf %exp3A, %div3A_25 : vector<512x1xf32>
    %mul3A_27 = arith.constant 5.000000e-01 : f32
    %mul3A_28 = vector.broadcast %mul3A_27 : f32 to vector<512x1xf32>
    %mul3A_29 = arith.mulf %mul3A_28, %add3A_26 : vector<512x1xf32>
    %sub3A = arith.subf %exp3A, %div3A_25 : vector<512x1xf32>
    %mul3A_30 = arith.constant 5.000000e-01 : f32
    %mul3A_31 = vector.broadcast %mul3A_30 : f32 to vector<512x1xf32>
    %mul3A_32 = arith.mulf %mul3A_31, %sub3A : vector<512x1xf32>
    %div3A_33 = arith.divf %mul3A_32, %max3A_22 : vector<512x1xf32>
    %mul3A_34 = vector.broadcast %div3A_33 : vector<512x1xf32> to vector<512x16xf32>
    %mul3A_35 = arith.mulf %mul3A_34, %slice3A : vector<512x16xf32>
    %add3A_36 = arith.constant 1.000000e+00 : f32
    %add3A_37 = vector.broadcast %add3A_36 : f32 to vector<512x1xf32>
    %add3A_38 = arith.addf %mul3A_29, %add3A_37 : vector<512x1xf32>
    %div3A_39 = vector.broadcast %add3A_38 : vector<512x1xf32> to vector<512x16xf32>
    %div3A_40 = arith.divf %mul3A_35, %div3A_39 : vector<512x16xf32>
    %mul3A_41 = arith.mulf %div3A_40, %div3A_40 : vector<512x16xf32>
    %reduce_sum3A_42 = arith.constant dense<0.000000e+00> : vector<512xf32>
    %reduce_sum3A_43 = vector.multi_reduction <add>, %mul3A_41, %reduce_sum3A_42 [1] : vector<512x16xf32> to vector<512xf32>
    %broadcast_in_dim3A_44 = vector.shape_cast %reduce_sum3A_43 : vector<512xf32> to vector<512x1xf32>
    %sqrt3A_45 = math.sqrt %broadcast_in_dim3A_44 : vector<512x1xf32>
    %max3A_46 = arith.constant 9.99999996E-13 : f32
    %max3A_47 = vector.broadcast %max3A_46 : f32 to vector<512x1xf32>
    %max3A_48 = arith.maximumf %sqrt3A_45, %max3A_47 : vector<512x1xf32>
    %get3A_49 = arith.constant 0 : index
    %get3A_50 = arith.constant 0 : index
    %get3A_51 = vector.load %arg5[%get3A_49, %get3A_50] : memref<1x1xf32, #tpu.memory_space<vmem>>, vector<1x1xf32>
    %get3A_52 = vector.extract %get3A_51[0, 0] : f32 from vector<1x1xf32>
    %jit3A = arith.constant 0.00999999977 : f32
    %jit3A_53 = arith.constant 9.990000e-01 : f32
    %max3A_54 = arith.maximumf %jit3A, %get3A_52 : f32
    %min3A = arith.minimumf %jit3A_53, %max3A_54 : f32
    %div3A_55 = vector.broadcast %max3A_48 : vector<512x1xf32> to vector<512x16xf32>
    %div3A_56 = arith.divf %div3A_40, %div3A_55 : vector<512x16xf32>
    %mul3A_57 = vector.broadcast %min3A : f32 to vector<512x16xf32>
    %mul3A_58 = arith.mulf %div3A_56, %mul3A_57 : vector<512x16xf32>
    %mul3A_59 = arith.mulf %mul3A_58, %mul3A_58 : vector<512x16xf32>
    %reduce_sum3A_60 = arith.constant dense<0.000000e+00> : vector<512xf32>
    %reduce_sum3A_61 = vector.multi_reduction <add>, %mul3A_59, %reduce_sum3A_60 [1] : vector<512x16xf32> to vector<512xf32>
    %broadcast_in_dim3A_62 = vector.shape_cast %reduce_sum3A_61 : vector<512xf32> to vector<512x1xf32>
    %sub3A_63 = arith.constant 1.000000e+00 : f32
    %sub3A_64 = vector.broadcast %sub3A_63 : f32 to vector<512x1xf32>
    %sub3A_65 = arith.subf %sub3A_64, %broadcast_in_dim3A_62 : vector<512x1xf32>
    %max3A_66 = arith.constant 9.99999974E-6 : f32
    %max3A_67 = vector.broadcast %max3A_66 : f32 to vector<512x1xf32>
    %max3A_68 = arith.maximumf %sub3A_65, %max3A_67 : vector<512x1xf32>
    %add3A_69 = arith.constant 1.000000e+00 : f32
    %add3A_70 = vector.broadcast %add3A_69 : f32 to vector<512x1xf32>
    %add3A_71 = arith.addf %add3A_70, %broadcast_in_dim3A_62 : vector<512x1xf32>
    %div3A_72 = arith.divf %add3A_71, %max3A_68 : vector<512x1xf32>
    %mul3A_73 = arith.constant 2.000000e+00 : f32
    %mul3A_74 = vector.broadcast %mul3A_73 : f32 to vector<512x16xf32>
    %mul3A_75 = arith.mulf %mul3A_74, %mul3A_58 : vector<512x16xf32>
    %div3A_76 = vector.broadcast %max3A_68 : vector<512x1xf32> to vector<512x16xf32>
    %div3A_77 = arith.divf %mul3A_75, %div3A_76 : vector<512x16xf32>
    %broadcast_in_dim3A_78 = arith.constant 0.000000e+00 : f32
    %broadcast_in_dim3A_79 = vector.broadcast %broadcast_in_dim3A_78 : f32 to vector<512x15xf32>
    %concatenate3A = tpu.concatenate %div3A_72, %div3A_77, %broadcast_in_dim3A_79 in 1 : vector<512x1xf32>, vector<512x16xf32>, vector<512x15xf32> -> vector<512x32xf32>
    %swap3A = arith.constant 0 : index
    %swap3A_80 = arith.constant 0 : index
    %swap3A_81 = vector.load %arg6[%swap3A, %swap3A_80] : memref<512x32xf32, #tpu.memory_space<vmem>>, vector<512x32xf32>
    tpu.vector_store %arg6[%swap3A, %swap3A_80], %concatenate3A {strides = array<i32>} : memref<512x32xf32, #tpu.memory_space<vmem>>, vector<512x32xf32>,
    return
  }
  func.func @transform_0(%arg0: i32) -> (i32, i32) {
    %c0_i32 = arith.constant 0 : i32
    %c0_i32_0 = arith.constant 0 : i32
    return %arg0, %c0_i32 : i32, i32
  }
  func.func @transform_1(%arg0: i32) -> (i32, i32, i32) {
    %c0_i32 = arith.constant 0 : i32
    %c0_i32_0 = arith.constant 0 : i32
    %c0_i32_1 = arith.constant 0 : i32
    return %c0_i32, %arg0, %c0_i32_0 : i32, i32, i32
  }
  func.func @transform_2(%arg0: i32) -> (i32, i32, i32) {
    %c1_i32 = arith.constant 1 : i32
    %c0_i32 = arith.constant 0 : i32
    %c0_i32_0 = arith.constant 0 : i32
    return %c1_i32, %arg0, %c0_i32 : i32, i32, i32
  }
  func.func @transform_3(%arg0: i32) -> (i32, i32) {
    %c0_i32 = arith.constant 0 : i32
    %c0_i32_0 = arith.constant 0 : i32
    return %arg0, %c0_i32 : i32, i32
  }
  func.func @transform_4(%arg0: i32) -> (i32, i32) {
    %c0_i32 = arith.constant 0 : i32
    %c0_i32_0 = arith.constant 0 : i32
    %c0_i32_1 = arith.constant 0 : i32
    return %c0_i32, %c0_i32_0 : i32, i32
  }
  func.func @transform_5(%arg0: i32) -> (i32, i32) {
    %c0_i32 = arith.constant 0 : i32
    %c0_i32_0 = arith.constant 0 : i32
    return %arg0, %c0_i32 : i32, i32
  }
}

module attributes {stable_mosaic.version = 14 : i64} {
  func.func @_dec_body(%arg0: i32, %arg1: i32, %arg2: memref<512x32xf32, #tpu.memory_space<vmem>>, %arg3: memref<512x32xf32, #tpu.memory_space<vmem>>, %arg4: memref<512x512xf32, #tpu.memory_space<vmem>>) attributes {dimension_semantics = [#tpu.dimension_semantics<arbitrary>, #tpu.dimension_semantics<arbitrary>], iteration_bounds = array<i64: 8, 8>, scalar_prefetch = 0 : i64, scratch_operands = 0 : i64, tpu.core_type = #tpu.core_type<tc>, window_params = [{transform_indices = @transform_0, window_bounds = array<i64: 512, 32>}, {transform_indices = @transform_1, window_bounds = array<i64: 512, 32>}, {transform_indices = @transform_2, window_bounds = array<i64: 512, 512>}]} {
    %get3A = arith.constant 0 : index
    %get3A_0 = arith.constant 0 : index
    %get3A_1 = vector.load %arg2[%get3A, %get3A_0] : memref<512x32xf32, #tpu.memory_space<vmem>>, vector<512x32xf32>
    %get3A_2 = arith.constant 0 : index
    %get3A_3 = arith.constant 0 : index
    %get3A_4 = vector.load %arg3[%get3A_2, %get3A_3] : memref<512x32xf32, #tpu.memory_space<vmem>>, vector<512x32xf32>
    %iota3A = tpu.iota {dimensions = array<i32: 1>} : vector<1x32xi32>
    %eq3A = arith.constant 0 : i32
    %eq3A_5 = vector.broadcast %eq3A : i32 to vector<1x32xi32>
    %eq3A_6 = arith.cmpi eq, %iota3A, %eq3A_5 : vector<1x32xi32>
    %le3A = arith.constant 16 : i32
    %le3A_7 = vector.broadcast %le3A : i32 to vector<1x32xi32>
    %le3A_8 = arith.cmpi sle, %iota3A, %le3A_7 : vector<1x32xi32>
    %jit3A = arith.constant 1.000000e+00 : f32
    %jit3A_9 = arith.constant 0.000000e+00 : f32
    %broadcast_in_dim3A = vector.broadcast %jit3A : f32 to vector<1x32xf32>
    %broadcast_in_dim3A_10 = vector.broadcast %jit3A_9 : f32 to vector<1x32xf32>
    %select_n3A = arith.select %le3A_8, %broadcast_in_dim3A, %broadcast_in_dim3A_10 : vector<1x32xi1>, vector<1x32xf32>
    %jit3A_11 = arith.constant -1.000000e+00 : f32
    %broadcast_in_dim3A_12 = vector.broadcast %jit3A_11 : f32 to vector<1x32xf32>
    %select_n3A_13 = arith.select %eq3A_6, %broadcast_in_dim3A_12, %select_n3A : vector<1x32xi1>, vector<1x32xf32>
    %mul3A = vector.broadcast %select_n3A_13 : vector<1x32xf32> to vector<512x32xf32>
    %mul3A_14 = arith.mulf %get3A_1, %mul3A : vector<512x32xf32>
    %dot_general3A = arith.constant dense<0.000000e+00> : vector<512x512xf32>
    %dot_general3A_15 = tpu.matmul %mul3A_14, %get3A_4, %dot_general3A {dimension_numbers = #tpu.dot_dimension_numbers<[1], [1], [0], [0], [0, 0, 1, 0], [], []>, transpose_lhs_hint = false} : vector<512x32xf32>, vector<512x32xf32>, vector<512x512xf32> -> vector<512x512xf32>
    %neg3A = arith.constant 0.000000e+00 : f32
    %neg3A_16 = vector.broadcast %neg3A : f32 to vector<512x512xf32>
    %neg3A_17 = arith.subf %neg3A_16, %dot_general3A_15 : vector<512x512xf32>
    %max3A = arith.constant 1.000010e+00 : f32
    %max3A_18 = vector.broadcast %max3A : f32 to vector<512x512xf32>
    %max3A_19 = arith.maximumf %neg3A_17, %max3A_18 : vector<512x512xf32>
    %mul3A_20 = arith.mulf %max3A_19, %max3A_19 : vector<512x512xf32>
    %sub3A = arith.constant 1.000000e+00 : f32
    %sub3A_21 = vector.broadcast %sub3A : f32 to vector<512x512xf32>
    %sub3A_22 = arith.subf %mul3A_20, %sub3A_21 : vector<512x512xf32>
    %sqrt3A = math.sqrt %sub3A_22 : vector<512x512xf32>
    %add3A = arith.addf %max3A_19, %sqrt3A : vector<512x512xf32>
    %log3A = math.log %add3A : vector<512x512xf32>
    %mul3A_23 = arith.mulf %log3A, %log3A : vector<512x512xf32>
    %sub3A_24 = arith.constant 2.000000e+00 : f32
    %sub3A_25 = vector.broadcast %sub3A_24 : f32 to vector<512x512xf32>
    %sub3A_26 = arith.subf %sub3A_25, %mul3A_23 : vector<512x512xf32>
    %div3A = arith.constant 1.000000e+00 : f32
    %div3A_27 = vector.broadcast %div3A : f32 to vector<512x512xf32>
    %div3A_28 = arith.divf %sub3A_26, %div3A_27 : vector<512x512xf32>
    %neg3A_29 = arith.constant 0.000000e+00 : f32
    %neg3A_30 = vector.broadcast %neg3A_29 : f32 to vector<512x512xf32>
    %neg3A_31 = arith.subf %neg3A_30, %div3A_28 : vector<512x512xf32>
    %exp3A = math.exp %neg3A_31 : vector<512x512xf32>
    %add3A_32 = arith.constant 1.000000e+00 : f32
    %add3A_33 = vector.broadcast %add3A_32 : f32 to vector<512x512xf32>
    %add3A_34 = arith.addf %add3A_33, %exp3A : vector<512x512xf32>
    %div3A_35 = arith.constant 1.000000e+00 : f32
    %div3A_36 = vector.broadcast %div3A_35 : f32 to vector<512x512xf32>
    %div3A_37 = arith.divf %div3A_36, %add3A_34 : vector<512x512xf32>
    %mul3A_38 = arith.constant 0.0011067962 : f32
    %mul3A_39 = vector.broadcast %mul3A_38 : f32 to vector<512x512xf32>
    %mul3A_40 = arith.mulf %mul3A_39, %div3A_37 : vector<512x512xf32>
    %add3A_41 = arith.constant 0.00141832326 : f32
    %add3A_42 = vector.broadcast %add3A_41 : f32 to vector<512x512xf32>
    %add3A_43 = arith.addf %mul3A_40, %add3A_42 : vector<512x512xf32>
    %mul3A_44 = arith.mulf %add3A_43, %div3A_37 : vector<512x512xf32>
    %add3A_45 = arith.constant -0.0216604397 : f32
    %add3A_46 = vector.broadcast %add3A_45 : f32 to vector<512x512xf32>
    %add3A_47 = arith.addf %mul3A_44, %add3A_46 : vector<512x512xf32>
    %mul3A_48 = arith.mulf %add3A_47, %div3A_37 : vector<512x512xf32>
    %add3A_49 = arith.constant 2.1609875E-4 : f32
    %add3A_50 = vector.broadcast %add3A_49 : f32 to vector<512x512xf32>
    %add3A_51 = arith.addf %mul3A_48, %add3A_50 : vector<512x512xf32>
    %mul3A_52 = arith.mulf %add3A_51, %div3A_37 : vector<512x512xf32>
    %add3A_53 = arith.constant 0.249977842 : f32
    %add3A_54 = vector.broadcast %add3A_53 : f32 to vector<512x512xf32>
    %add3A_55 = arith.addf %mul3A_52, %add3A_54 : vector<512x512xf32>
    %mul3A_56 = arith.mulf %add3A_55, %div3A_37 : vector<512x512xf32>
    %add3A_57 = arith.constant 0.500000536 : f32
    %add3A_58 = vector.broadcast %add3A_57 : f32 to vector<512x512xf32>
    %add3A_59 = arith.addf %mul3A_56, %add3A_58 : vector<512x512xf32>
    %swap3A = arith.constant 0 : index
    %swap3A_60 = arith.constant 0 : index
    %swap3A_61 = vector.load %arg4[%swap3A, %swap3A_60] : memref<512x512xf32, #tpu.memory_space<vmem>>, vector<512x512xf32>
    tpu.vector_store %arg4[%swap3A, %swap3A_60], %add3A_59 {strides = array<i32>} : memref<512x512xf32, #tpu.memory_space<vmem>>, vector<512x512xf32>,
    return
  }
  func.func @transform_0(%arg0: i32, %arg1: i32) -> (i32, i32) {
    %c0_i32 = arith.constant 0 : i32
    %c0_i32_0 = arith.constant 0 : i32
    return %arg0, %c0_i32 : i32, i32
  }
  func.func @transform_1(%arg0: i32, %arg1: i32) -> (i32, i32) {
    %c0_i32 = arith.constant 0 : i32
    %c0_i32_0 = arith.constant 0 : i32
    return %arg1, %c0_i32 : i32, i32
  }
  func.func @transform_2(%arg0: i32, %arg1: i32) -> (i32, i32) {
    %c0_i32 = arith.constant 0 : i32
    return %arg0, %arg1 : i32, i32
  }
}

</mosaic_0001>

<sc_bundles>
// kernel: kernel.10.cloned.1.call-start
scs
__scs_entry_jumppad:
0x0: {  	(pc) =	sbr.rel $0x88, $3  }
0x1: {  	(tag) =	ssettag $0x0;
	lr =	simm.s32 $0x1  }
0x2: {  	[smem:$0x3F98] =	sst lr;
	_ =	strace $0xD0000000  }
0x3: {  	_ = 	snop  }
0x4: {  	_ = 	snop  }
0x5: {  	_ = 	snop  }
0x6: {  	_ = 	snop  }
0x7: {  	_ = 	snop  }
__scs_overlays_trampoline_lowered:
0x8: {  	[smem:$0x3FA7] =	sst s0  }
0x9: {  	[smem:$0x3FA8] =	sst s1  }
0xa: {  	[smem:$0x3FA9] =	sst s2  }
0xb: {  	[smem:$0x3FAA] =	sst s3  }
0xc: {  	[smem:$0x3FAB] =	sst s4  }
0xd: {  	[smem:$0x3FAC] =	sst s5  }
0xe: {  	[smem:$0x3FAD] =	sst s6  }
0xf: {  	[smem:$0x3FAE] =	sst s7  }
0x10: {  	[smem:$0x3FAF] =	sst s8  }
0x11: {  	[smem:$0x3FB0] =	sst s9;
	s0 =	simm.s32 @!p0 $0x0  }
0x12: {  	s1 =	sld [smem:$0x3F96];
	s0 =	simm.s32 @p0 $0x1  }
0x13: {  	[smem:$0x3FB1] =	sst s0;
	s0 =	simm.s32 @!p1 $0x0  }
0x14: {  	s2 =	sld [smem:$0x3F95];
	s0 =	simm.s32 @p1 $0x1  }
0x15: {  	[smem:$0x3FB2] =	sst s0;
	s0 =	simm.s32 @!p2 $0x0  }
0x16: {  	s3 =	sld [smem:$0x3FDB];
	s0 =	simm.s32 @p2 $0x1  }
0x17: {  	s4 =	simm.s32 $0x1BF5;
	[smem:$0x3FB4] =	sst s0  }
0x18: {  	s0 =	sld [smem:$0x3F97];
	_ =	swait.ge [sflag:s4], $0x0  }
0x19: {  	s7 =	sld [smem:$0x3F98]  }
0x1a: {  	s8 =	sadd.s32 $0xFFFFE003, lr  }
0x1b: {  	s9 =	sadd.s32 $0xFFFFFEF7, lr;
	s5 =	simm.s32 $0xFFFFFFFF;
	p2 =	slt.u32 s8, $0xFFFFF086  }
0x1c: {  	p1 =	slt.u32 s9, $0xF7A;
	s5 =	simm.s32 @!p2 $0x0  }
0x1d: {  	s5 =	simm.s32 @p1 $0x1;
	p0 =	seq.s32 s7, s2  }
0x1e: {  	s7 =	smul.u32 @!p0 $0xF7A, s2;
	p2 =	seq.s32 @!p0 s5, $0x0  }
0x1f: {  	s9 =	smul.u32 $0xF7A, s1;
	s8 =	simm.s32 @!p0 $0x1BF5;
	p2 =	por !p2, p0  }
0x20: {  	[sflag:s8] =	ssyncset.s32 @!p0 $0xFFFFF086;
	s6 =	sadd.s32 @!p0 s3, s7;
	s7 =	simm.s32 @!p0 $0x108  }
0x21: {  	s3 =	sadd.s32 s3, s9;
	s6 =	sadd.s32 @!p0 $0x88, s6;
	s7 =	simm.s32 @p2 $0x1082  }
0x22: {  	[simem:s7], [sflag:s8] =	dma.local @!p0 [hbm:s6], $0xF7A  }
0x23: {  	s9 =	sor.u32 $0xD0000000, s2;
	s6 =	simm.s32 $0x108;
	_ =	swait.ge @!p0 [sflag:s8], $0x0  }
0x24: {  	s3 =	sadd.s32 $0x88, s3;
	s6 =	simm.s32 @!p1 $0x1082;
	[sflag:s4] =	ssyncset.s32 $0xFFFFF086  }
0x25: {  	[simem:s6], [sflag:s4] =	dma.local [hbm:s3], $0xF7A  }
0x26: {  	[smem:$0x3F98] =	sst s1;
	(tag) =	ssettag s2;
	_ =	strace s9  }
0x27: {  	s1 =	sld [smem:$0x3FA8]  }
0x28: {  	s2 =	sld [smem:$0x3FA9]  }
0x29: {  	s4 =	sld [smem:$0x3FAB]  }
0x2a: {  	p0 =	seq.s32 s5, $0x0;
	s5 =	sld [smem:$0x3FAC]  }
0x2b: {  	s6 =	sld [smem:$0x3FAD]  }
0x2c: {  	s7 =	sld [smem:$0x3FAE]  }
0x2d: {  	s3 =	simm.s32 $0x108;
	s8 =	sld [smem:$0x3FAF]  }
0x2e: {  	s3 =	simm.s32 @!p0 $0x1082;
	s9 =	sld [smem:$0x3FB0]  }
0x2f: {  	lr =	sadd.s32 s0, s3;
	s0 =	sld [smem:$0x3FA7]  }
0x30: {  	s3 =	sld [smem:$0x3FAA]  }
0x31: {  	[smem:$0x3FB3] =	sst s10  }
0x32: {  	s10 =	sld [smem:$0x3FB1];
	_ =	sdelay $0x3  }
0x33: {  	p0 =	seq.s32 s10, $0x1;
	s10 =	sld [smem:$0x3FB3];
	_ =	sdelay $0x3  }
0x34: {  	[smem:$0x3FB3] =	sst s10  }
0x35: {  	s10 =	sld [smem:$0x3FB2];
	_ =	sdelay $0x3  }
0x36: {  	p1 =	seq.s32 s10, $0x1;
	s10 =	sld [smem:$0x3FB3];
	_ =	sdelay $0x3  }
0x37: {  	[smem:$0x3FB3] =	sst s10  }
0x38: {  	s10 =	sld [smem:$0x3FB4]  }
0x39: {  	_ = 	snop;
	(pc) =	sbr.ind lr, $3  }
0x3a: {  	_ = 	snop  }
0x3b: {  	_ = 	snop  }
0x3c: {  	p2 =	seq.s32 s10, $0x1;
	s10 =	sld [smem:$0x3FB3]  }
0x3d: {  	_ =	shalt  }
0x3e: {  	_ =	shalt  }
0x3f: {  	_ =	shalt  }
0x40: {  	_ =	shalt  }
0x41: {  	_ =	shalt  }
0x42: {  	_ =	shalt  }
0x43: {  	_ =	shalt  }
0x44: {  	_ =	shalt  }
0x45: {  	_ =	shalt  }
0x46: {  	_ =	shalt  }
0x47: {  	_ =	shalt  }
0x48: {  	_ =	shalt  }
0x49: {  	_ =	shalt  }
0x4a: {  	_ =	shalt  }
0x4b: {  	_ =	shalt  }
0x4c: {  	_ =	shalt  }
0x4d: {  	_ =	shalt  }
0x4e: {  	_ =	shalt  }
0x4f: {  	_ =	shalt  }
0x50: {  	_ =	shalt  }
0x51: {  	_ =	shalt  }
0x52: {  	_ =	shalt  }
0x53: {  	_ =	shalt  }
0x54: {  	_ =	shalt  }
0x55: {  	_ =	shalt  }
0x56: {  	_ =	shalt  }
0x57: {  	_ =	shalt  }
0x58: {  	_ =	shalt  }
0x59: {  	_ =	shalt  }
0x5a: {  	_ =	shalt  }
0x5b: {  	_ =	shalt  }
0x5c: {  	_ =	shalt  }
0x5d: {  	_ =	shalt  }
0x5e: {  	_ =	shalt  }
0x5f: {  	_ =	shalt  }
0x60: {  	_ =	shalt  }
0x61: {  	_ =	shalt  }
0x62: {  	_ =	shalt  }
0x63: {  	_ =	shalt  }
0x64: {  	_ =	shalt  }
0x65: {  	_ =	shalt  }
0x66: {  	_ =	shalt  }
0x67: {  	_ =	shalt  }
0x68: {  	_ =	shalt  }
0x69: {  	_ =	shalt  }
0x6a: {  	_ =	shalt  }
0x6b: {  	_ =	shalt  }
0x6c: {  	_ =	shalt  }
0x6d: {  	_ =	shalt  }
0x6e: {  	_ =	shalt  }
0x6f: {  	_ =	shalt  }
0x70: {  	_ =	shalt  }
0x71: {  	_ =	shalt  }
0x72: {  	_ =	shalt  }
0x73: {  	_ =	shalt  }
0x74: {  	_ =	shalt  }
0x75: {  	_ =	shalt  }
0x76: {  	_ =	shalt  }
0x77: {  	_ =	shalt  }
0x78: {  	_ =	shalt  }
0x79: {  	_ =	shalt  }
0x7a: {  	_ =	shalt  }
0x7b: {  	_ =	shalt  }
0x7c: {  	_ =	shalt  }
0x7d: {  	_ =	shalt  }
0x7e: {  	_ =	shalt  }
0x7f: {  	_ =	shalt  }
0x80: {  	_ =	shalt  }
0x81: {  	_ =	shalt  }
0x82: {  	_ =	shalt  }
0x83: {  	_ =	shalt  }
0x84: {  	_ =	shalt  }
0x85: {  	_ =	shalt  }
0x86: {  	_ =	shalt  }
0x87: {  	_ =	shalt  }
.Lfunc_end0:
.L_simem_size_0:
called_computation_lowered:
.L_overlay_start_0:
0x88: {  	s2 =	sld [smem:$0x3FD9]  }
0x89: {  	s3 =	sld [smem:$0x3FFE];
	_ =	sdelay $0x1  }
0x8a: {  	s1 =	srdreg.scid  }
0x8b: {  	s0 =	sand.u32 $0x1, s1  }
0x8c: {  	s14 =	sshll.u32 s0, $0xA;
	s2 =	sadd.s32 s3, s2  }
0x8d: {  	s2 =	sadd.s32 s2, s14  }
0x8e: {  	[smem:$0x3FBF] =	sst s2  }
0x8f: {  	_ = 	snop  }
0x90: {  	s2 =	sld [smem:$0x3FD0];
	_ =	sdelay $0x2  }
0x91: {  	s15 =	simm.s32 $0xA;
	s4 =	simm.s32 $0x10  }
0x92: {  	[smem:s4], [sflag:s15] =	dma.local [hbm:s2], $0x1  }
0x93: {  	_ =	swait.eq [sflag:s15], $0x1  }
0x94: {  	[sflag:s15] =	ssyncset.done $0x0  }
0x95: {  	s16 =	sld [smem:$0x10];
	[sflag:s15] =	ssyncadd.s32 $0xFFFFFFFF  }
0x96: {  	s17 =	sld [smem:$0x11];
	(tm) =	ssettm $0x1  }
0x97: {  	s18 =	sld [smem:$0x3FFB];
	_ =	sdelay $0x3  }
0x98: {  	_ =	strace s18  }
0x99: {  	s4 =	sld [smem:$0x3FFC];
	_ =	sdelay $0x3  }
0x9a: {  	_ =	strace s4  }
0x9b: {  	s4 =	sld [smem:$0x3FFD];
	_ =	sdelay $0x3  }
0x9c: {  	_ =	strace s4  }
0x9d: {  	_ =	strace $0x8FFFFFFF  }
0x9e: {  	s19 =	sld [smem:$0x3FDB];
	_ =	sdelay $0x1  }
0x9f: {  	s5 =	simm.s32 $_scs_section_size  }
0xa0: {  	s6 =	simm.s32 $_size__tile_overlayer_lowered;
	s7 =	simm.s32 $_tile_overlayer_lowered  }
0xa1: {  	s22 =	simm.s32 $0x1BFF;
	s21 =	sshll.u32 s7, $0x1;
	s4 =	sadd.s32 s5, s19  }
0xa2: {  	s8 =	simm.s32 $0x0;
	s20 =	sshll.u32 s6, $0x1;
	s6 =	sadd.s32 s21, s4  }
0xa3: {  	[timem:s8], [sflag:s22] =	dma.local [hbm:s6], s20  }
0xa4: {  	_ =	swait.ge [sflag:s22], s20  }
0xa5: {  	s5 =	ssub.s32 $0x0, s20;
	[sflag:s22] =	ssyncset.done $0x0  }
0xa6: {  	[sflag:s22] =	ssyncadd.s32 s5;
	_ =	sdelay $0x1  }
0xa7: {  	s23 =	simm.s32 $0x1B8B  }
0xa8: {  	_ =	swait.ge [sflag:s23], $0x1  }
0xa9: {  	[sflag:s23] =	ssyncset.done $0x0  }
0xaa: {  	s25 =	simm.s32 $0x1B8E;
	s24 =	sld [smem:$0x3FFE];
	[sflag:s23] =	ssyncadd.s32 $0xFFFFFFFF  }
0xab: {  	s26 =	simm.s32 $execute0_lowered;
	[smem:$0x3FD2] =	sst s25  }
0xac: {  	s6 =	sshll.u32 s26, $0x1;
	_ =	strace $0x80000046;
	[dreg:$0x1] =	wrdreg $0xFFFFFFFF  }
0xad: {  	s28 =	simm.s32 $_size_execute0_lowered;
	s4 =	sadd.s32 s4, s6;
	[dreg:$0x0] =	wrdreg $0x0  }
0xae: {  	s6 =	sshll.u32 s28, $0x1;
	[dreg:$0x2] =	wrdreg s4  }
0xaf: {  	[dreg:$0x3] =	wrdreg s6  }
0xb0: {  	[dreg:$0x4] =	wrdreg $0xC0  }
0xb1: {  	_ =	task [dreg:s8], $0x5FFFF  }
0xb2: {  	[dreg:$0x1] =	wrdreg $0xFFFFFFFF  }
0xb3: {  	[dreg:$0x0] =	wrdreg $0x60  }
0xb4: {  	[dreg:$0x2] =	wrdreg s16  }
0xb5: {  	[dreg:$0x3] =	wrdreg s24  }
0xb6: {  	[dreg:$0x4] =	wrdreg s17  }
0xb7: {  	[dreg:$0x5] =	wrdreg $0x98000  }
0xb8: {  	[dreg:$0x6] =	wrdreg $0x9  }
0xb9: {  	_ =	task.clear_ibuf [dreg:s8], $0x7FFFF;
	_ =	strace $0x90000046  }
0xba: {  	s29 =	simm.s32 $0x9;
	_ =	strace $0x80000048  }
0xbb: {  	_ =	swait.ge [sflag:s29], $0x1  }
0xbc: {  	[sflag:s29] =	ssyncadd.s32 $0xFFFFFFFF  }
0xbd: {  	_ =	strace $0x90000048  }
0xbe: {  	_ =	sfence  }
0xbf: {  	s30 =	sld [smem:$0x0];
	_ =	sdelay $0x2  }
0xc0: {  	s31 =	sshll.u32 s1, $0xD;
	s1 =	sshrl.u32 s1, $0x2  }
0xc1: {  	s3 =	sand.u32 $0x4000, s31;
	s1 =	sadd.s32 s1, s30  }
0xc2: {  	s0 =	sor.u32 s3, s0;
	s1 =	sshll.u32 s1, $0x11  }
0xc3: {  	s0 =	sor.u32 s1, s0  }
0xc4: {  	s0 =	sadd.s32 $0x8F2B, s0  }
0xc5: {  	[sflag:s0] =	ssyncadd.remote.s32 $0x1  }
0xc6: {  	_ =	sfence.sel $0xFFFF  }
0xc7: {  	[dreg:$0x0] =	wrdreg $0xFFFFFFFF;
	(pc) =	sbr.abs _section_cstart, $3  }
0xc8: {  	[dreg:$0x1] =	wrdreg $0xFFFFFFFF  }
0xc9: {  	_ =	task.clear_ibuf [dreg:s8], $0x2FFFF;
	_ =	strace $0x9FFFFFFF  }
0xca: {  	(tm) =	ssettm $0x7FFFFFFF  }
0xcb: {  	_ =	shalt  }
tec
execute0_lowered:
.L_overlay_start_1:
0x0: {  	(tag) =	ssettag $0x1  }
0x1: {  	s1 =	rddreg [dreg:$0x0]  }
0x2: {  	s6 =	rddreg [dreg:$0x1]  }
0x3: {  	s3 =	rddreg [dreg:$0x2]  }
0x4: {  	s4 =	rddreg [dreg:$0x3]  }
0x5: {  	s0 =	rddreg [dreg:$0x4]  }
0x6: {  	s7 =	srdreg.scid;
	s2 =	stileid.u32  }
0x7: {  	s5 =	simm.s32 $0x0;
	s13 =	simm.s32 $0x800;
	s14 =	simm.s32 $0x80  }
0x8: {  	s15 =	simm.s32 $0x1000;
	s16 =	simm.s32 $0x1;
	s17 =	simm.s32 $0x0  }
0x9: {  	s7 =	sand.u32 $0x1, s7;
	s8 =	smul.u32 $0x11000, s2;
	[smem:$0x7FF] =	sst s5  }
0xa: {  	s11 =	sshll.u32 s2, $0x8;
	s31 =	sshll.u32 s2, $0x6;
	s9 =	smul.u32 $0x110000, s7  }
0xb: {  	_ =	strace $0x80000047;
	s10 =	sshll.u32 s7, $0xC;
	s7 =	ssub.s32 $0x2, s7  }
0xc: {  	s10 =	sor.u32 s11, s10;
	s29 =	sshrl.u32 s7, $0x1;
	s12 =	sadd.s32 s8, s4  }
0xd: {  	s9 =	sadd.s32 s8, s9;
	s10 =	sadd.s32 s10, s6;
	s30 =	ssub.s32 s7, s29  }
0xe: {  	s11 =	sshrl.u32 s12, $0x3;
	s12 =	simm.s32 $0x2;
	s9 =	sshrl.u32 s9, $0x3  }
0xf: {  	s7 =	sadd.s32 $0x3C00, s10;
	s8 =	sadd.s32 $0x1C00, s10;
	s9 =	sadd.s32 s9, s6  }
0x10: {  	s10 =	smax.u32 s30, $0x1;
	s6 =	sor.u32 $0x1C02, s31;
	s9 =	sadd.s32 $0x5C00, s9  }
.LBB2_1:
0x11: {  	[spmem:s11], [sflag:s6] =	dma.local [hbm:s3], $0x2200  }
0x12: {  	_ =	swait.ge [sflag:s12], $0x2200  }
0x13: {  	[sflag:s12] =	ssyncset.done $0x0  }
0x14: {  	[sflag:s12] =	ssyncadd.s32 $0xFFFFDE00  }
0x15: {  	[tilespmem:s5], [sflag:$0x2] =	stream.linear.gather [hbm4b:s7+s5], $0x800, $0x38;
	[tilespmem:$0x1A800] =	vst v63  }
0x16: {  	_ =	swait.ge [sflag:s12], $0x800  }
0x17: {  	[sflag:s12] =	ssyncset.done $0x0  }
0x18: {  	[sflag:s12] =	ssyncadd.s32 $0xFFFFF800  }
0x19: {  	[tilespmem:s13], [sflag:$0x2] =	stream.linear.gather [hbm4b:s8+s5], $0x800, $0x38;
	[tilespmem:$0x1A800] =	vst v63  }
0x1a: {  	_ =	swait.ge [sflag:s12], $0x800  }
0x1b: {  	[sflag:s12] =	ssyncset.done $0x0  }
0x1c: {  	[sflag:s12] =	ssyncadd.s32 $0xFFFFF800  }
0x1d: {  	s18 =	simm.s32 $0x0;
	[bflag:$0x0] =	sbarrier.arrive $0xFFFF  }
0x1e: {  	[tilespmem:s15], [sflag:$0x1] =	stream.indirect.gather [hbm4b:s1+s14], $0x110, s18, s14, $0xb8;
	[tilespmem:$0x1A800] =	vst v63  }
0x1f: {  	_ =	swait.ge [sflag:s16], $0x8800  }
0x20: {  	[sflag:s16] =	ssyncset.done $0x0  }
0x21: {  	s31 =	simm.s32 $0x800;
	[sflag:s16] =	ssyncadd.s32 $0xFFFF7800  }
0x22: {  	[spmem:s4] =	stream.indirect.scatter.add.f32 [tilespmem:s15], [sflag:$0x2], $0x110, s31, s14, $0xb8;
	[tilespmem:$0x1A800] =	vst v63  }
0x23: {  	_ =	swait.ge [sflag:s12], $0x8800  }
0x24: {  	s19 =	simm.s32 $0x400;
	s18 =	simm.s32 $0x200;
	[sflag:s12] =	ssyncset.done $0x0  }
.LBB2_2:
0x25: {  	s20 =	sshra.s32 s18, $0x2  }
0x26: {  	[sflag:s12] =	ssyncadd.s32 $0xFFFF7800;
	s18 =	smov.u32 s19;
	s21 =	sadd.s32 $0x200, s19  }
0x27: {  	[tilespmem:s15], [sflag:$0x1] =	stream.indirect.gather [hbm4b:s1+s14], $0x110, s20, s14, $0xb8;
	[tilespmem:$0x1A800] =	vst v63  }
0x28: {  	p0 =	sne.s32 s19, $0x1E00;
	_ =	swait.ge [sflag:s16], $0x8800  }
.Ltmp0:
0x29: {  	[sflag:s16] =	ssyncset.done $0x0;
	(pc) =	sbr.rel @p0 .LBB2_2-.Ltmp0, $4  }
0x2a: {  	s19 =	sadd.s32 $0x800, s20;
	[sflag:s16] =	ssyncadd.s32 $0xFFFF7800  }
0x2b: {  	[spmem:s4] =	stream.indirect.scatter.add.f32 [tilespmem:s15], [sflag:$0x2], $0x110, s19, s14, $0xb8;
	[tilespmem:$0x1A800] =	vst v63  }
0x2c: {  	_ =	swait.ge [sflag:s12], $0x8800  }
0x2d: {  	s19 =	smov.u32 s21;
	[sflag:s12] =	ssyncset.done $0x0  }
0x2e: {  	s18 =	sshra.s32 s18, $0x2;
	[sflag:s12] =	ssyncadd.s32 $0xFFFF7800  }
0x2f: {  	[tilespmem:s15], [sflag:$0x1] =	stream.indirect.gather [hbm4b:s1+s14], $0x110, s18, s14, $0xb8;
	[tilespmem:$0x1A800] =	vst v63  }
0x30: {  	_ =	swait.ge [sflag:s16], $0x8800  }
0x31: {  	[sflag:s16] =	ssyncset.done $0x0  }
0x32: {  	s18 =	sadd.s32 $0x800, s18;
	[sflag:s16] =	ssyncadd.s32 $0xFFFF7800  }
0x33: {  	[spmem:s4] =	stream.indirect.scatter.add.f32 [tilespmem:s15], [sflag:$0x2], $0x110, s18, s14, $0xb8;
	[tilespmem:$0x1A800] =	vst v63  }
0x34: {  	_ =	swait.ge [sflag:s12], $0x8800  }
0x35: {  	s17 =	sadd.s32 $0x1, s17;
	[sflag:s12] =	ssyncset.done $0x0  }
0x36: {  	p0 =	sne.s32 s17, s10;
	[sflag:s12] =	ssyncadd.s32 $0xFFFF7800  }
.Ltmp1:
0x37: {  	[bflag:$0x0] =	sbarrier.arrive $0xFFFF;
	(pc) =	sbr.rel @p0 .LBB2_1-.Ltmp1, $4  }
0x38: {  	[hbm:s9], [sflag:s6] =	dma.local [spmem:s11], $0x2200  }
0x39: {  	_ =	swait.ge [sflag:s12], $0x2200  }
0x3a: {  	[sflag:s12] =	ssyncset.done $0x0  }
0x3b: {  	[sflag:s12] =	ssyncadd.s32 $0xFFFFDE00  }
0x3c: {  	_ =	sfence.sel $0x180000  }
0x3d: {  	[bflag:$0x0] =	sbarrier.arrive $0xFFFF  }
0x3e: {  	p0 =	sne.s32 s2, $0x0;
	_ =	strace $0x90000047  }
0x3f: {  	s0 =	sadd.s32 @!p0 $0x100000, s0;
	[bflag:$0x2] =	sbarrier.arrive $0xFFFF  }
0x40: {  	[sflag:s0] =	ssyncadd.tile.s32 @!p0 $0x1;
	_ =	shalt  }
.Lfunc_end2:
_tile_overlayer_lowered:
.L_overlay_start_2:
0x41: {  	(tag) =	ssettag $0x2  }
0x42: {  	s0 =	rddreg [dreg:$0x0];
	s2 =	stileid.u32  }
0x43: {  	s1 =	rddreg [dreg:$0x1];
	p0 =	sne.s32 s2, $0x0  }
0x44: {  	s3 =	rddreg [dreg:$0x2];
	[bflag:$0x3] =	sbarrier.arrive $0xFFFF;
	s2 =	simm.s32 @!p0 $0x1C02  }
0x45: {  	[timem:s3], [sflag:s2] =	dma.local @!p0 [hbm:s0], s1  }
0x46: {  	s0 =	simm.s32 @!p0 $0x2  }
0x47: {  	_ =	swait.ge @!p0 [sflag:s0], s1  }
0x48: {  	s1 =	ssub.s32 @!p0 $0x0, s1;
	[sflag:s0] =	ssyncset.done @!p0 $0x0  }
0x49: {  	[sflag:s0] =	ssyncadd.s32 @!p0 s1  }
0x4a: {  	[bflag:$0x3] =	sbarrier.arrive $0xFFFF  }
0x4b: {  	_ =	shalt  }

// kernel: kernel.13.cloned.1.call-start
scs
__scs_entry_jumppad:
0x0: {  	(pc) =	sbr.rel $0x88, $3  }
0x1: {  	(tag) =	ssettag $0x0;
	lr =	simm.s32 $0x1  }
0x2: {  	[smem:$0x3F98] =	sst lr;
	_ =	strace $0xD0000000  }
0x3: {  	_ = 	snop  }
0x4: {  	_ = 	snop  }
0x5: {  	_ = 	snop  }
0x6: {  	_ = 	snop  }
0x7: {  	_ = 	snop  }
__scs_overlays_trampoline_lowered:
0x8: {  	[smem:$0x3FA7] =	sst s0  }
0x9: {  	[smem:$0x3FA8] =	sst s1  }
0xa: {  	[smem:$0x3FA9] =	sst s2  }
0xb: {  	[smem:$0x3FAA] =	sst s3  }
0xc: {  	[smem:$0x3FAB] =	sst s4  }
0xd: {  	[smem:$0x3FAC] =	sst s5  }
0xe: {  	[smem:$0x3FAD] =	sst s6  }
0xf: {  	[smem:$0x3FAE] =	sst s7  }
0x10: {  	[smem:$0x3FAF] =	sst s8  }
0x11: {  	[smem:$0x3FB0] =	sst s9;
	s0 =	simm.s32 @!p0 $0x0  }
0x12: {  	s1 =	sld [smem:$0x3F96];
	s0 =	simm.s32 @p0 $0x1  }
0x13: {  	[smem:$0x3FB1] =	sst s0;
	s0 =	simm.s32 @!p1 $0x0  }
0x14: {  	s2 =	sld [smem:$0x3F95];
	s0 =	simm.s32 @p1 $0x1  }
0x15: {  	[smem:$0x3FB2] =	sst s0;
	s0 =	simm.s32 @!p2 $0x0  }
0x16: {  	s3 =	sld [smem:$0x3FDB];
	s0 =	simm.s32 @p2 $0x1  }
0x17: {  	s4 =	simm.s32 $0x1BF5;
	[smem:$0x3FB4] =	sst s0  }
0x18: {  	s0 =	sld [smem:$0x3F97];
	_ =	swait.ge [sflag:s4], $0x0  }
0x19: {  	s7 =	sld [smem:$0x3F98]  }
0x1a: {  	s8 =	sadd.s32 $0xFFFFE003, lr  }
0x1b: {  	s9 =	sadd.s32 $0xFFFFFEF7, lr;
	s5 =	simm.s32 $0xFFFFFFFF;
	p2 =	slt.u32 s8, $0xFFFFF086  }
0x1c: {  	p1 =	slt.u32 s9, $0xF7A;
	s5 =	simm.s32 @!p2 $0x0  }
0x1d: {  	s5 =	simm.s32 @p1 $0x1;
	p0 =	seq.s32 s7, s2  }
0x1e: {  	s7 =	smul.u32 @!p0 $0xF7A, s2;
	p2 =	seq.s32 @!p0 s5, $0x0  }
0x1f: {  	s9 =	smul.u32 $0xF7A, s1;
	s8 =	simm.s32 @!p0 $0x1BF5;
	p2 =	por !p2, p0  }
0x20: {  	[sflag:s8] =	ssyncset.s32 @!p0 $0xFFFFF086;
	s6 =	sadd.s32 @!p0 s3, s7;
	s7 =	simm.s32 @!p0 $0x108  }
0x21: {  	s3 =	sadd.s32 s3, s9;
	s6 =	sadd.s32 @!p0 $0x88, s6;
	s7 =	simm.s32 @p2 $0x1082  }
0x22: {  	[simem:s7], [sflag:s8] =	dma.local @!p0 [hbm:s6], $0xF7A  }
0x23: {  	s9 =	sor.u32 $0xD0000000, s2;
	s6 =	simm.s32 $0x108;
	_ =	swait.ge @!p0 [sflag:s8], $0x0  }
0x24: {  	s3 =	sadd.s32 $0x88, s3;
	s6 =	simm.s32 @!p1 $0x1082;
	[sflag:s4] =	ssyncset.s32 $0xFFFFF086  }
0x25: {  	[simem:s6], [sflag:s4] =	dma.local [hbm:s3], $0xF7A  }
0x26: {  	[smem:$0x3F98] =	sst s1;
	(tag) =	ssettag s2;
	_ =	strace s9  }
0x27: {  	s1 =	sld [smem:$0x3FA8]  }
0x28: {  	s2 =	sld [smem:$0x3FA9]  }
0x29: {  	s4 =	sld [smem:$0x3FAB]  }
0x2a: {  	p0 =	seq.s32 s5, $0x0;
	s5 =	sld [smem:$0x3FAC]  }
0x2b: {  	s6 =	sld [smem:$0x3FAD]  }
0x2c: {  	s7 =	sld [smem:$0x3FAE]  }
0x2d: {  	s3 =	simm.s32 $0x108;
	s8 =	sld [smem:$0x3FAF]  }
0x2e: {  	s3 =	simm.s32 @!p0 $0x1082;
	s9 =	sld [smem:$0x3FB0]  }
0x2f: {  	lr =	sadd.s32 s0, s3;
	s0 =	sld [smem:$0x3FA7]  }
0x30: {  	s3 =	sld [smem:$0x3FAA]  }
0x31: {  	[smem:$0x3FB3] =	sst s10  }
0x32: {  	s10 =	sld [smem:$0x3FB1];
	_ =	sdelay $0x3  }
0x33: {  	p0 =	seq.s32 s10, $0x1;
	s10 =	sld [smem:$0x3FB3];
	_ =	sdelay $0x3  }
0x34: {  	[smem:$0x3FB3] =	sst s10  }
0x35: {  	s10 =	sld [smem:$0x3FB2];
	_ =	sdelay $0x3  }
0x36: {  	p1 =	seq.s32 s10, $0x1;
	s10 =	sld [smem:$0x3FB3];
	_ =	sdelay $0x3  }
0x37: {  	[smem:$0x3FB3] =	sst s10  }
0x38: {  	s10 =	sld [smem:$0x3FB4]  }
0x39: {  	_ = 	snop;
	(pc) =	sbr.ind lr, $3  }
0x3a: {  	_ = 	snop  }
0x3b: {  	_ = 	snop  }
0x3c: {  	p2 =	seq.s32 s10, $0x1;
	s10 =	sld [smem:$0x3FB3]  }
0x3d: {  	_ =	shalt  }
0x3e: {  	_ =	shalt  }
0x3f: {  	_ =	shalt  }
0x40: {  	_ =	shalt  }
0x41: {  	_ =	shalt  }
0x42: {  	_ =	shalt  }
0x43: {  	_ =	shalt  }
0x44: {  	_ =	shalt  }
0x45: {  	_ =	shalt  }
0x46: {  	_ =	shalt  }
0x47: {  	_ =	shalt  }
0x48: {  	_ =	shalt  }
0x49: {  	_ =	shalt  }
0x4a: {  	_ =	shalt  }
0x4b: {  	_ =	shalt  }
0x4c: {  	_ =	shalt  }
0x4d: {  	_ =	shalt  }
0x4e: {  	_ =	shalt  }
0x4f: {  	_ =	shalt  }
0x50: {  	_ =	shalt  }
0x51: {  	_ =	shalt  }
0x52: {  	_ =	shalt  }
0x53: {  	_ =	shalt  }
0x54: {  	_ =	shalt  }
0x55: {  	_ =	shalt  }
0x56: {  	_ =	shalt  }
0x57: {  	_ =	shalt  }
0x58: {  	_ =	shalt  }
0x59: {  	_ =	shalt  }
0x5a: {  	_ =	shalt  }
0x5b: {  	_ =	shalt  }
0x5c: {  	_ =	shalt  }
0x5d: {  	_ =	shalt  }
0x5e: {  	_ =	shalt  }
0x5f: {  	_ =	shalt  }
0x60: {  	_ =	shalt  }
0x61: {  	_ =	shalt  }
0x62: {  	_ =	shalt  }
0x63: {  	_ =	shalt  }
0x64: {  	_ =	shalt  }
0x65: {  	_ =	shalt  }
0x66: {  	_ =	shalt  }
0x67: {  	_ =	shalt  }
0x68: {  	_ =	shalt  }
0x69: {  	_ =	shalt  }
0x6a: {  	_ =	shalt  }
0x6b: {  	_ =	shalt  }
0x6c: {  	_ =	shalt  }
0x6d: {  	_ =	shalt  }
0x6e: {  	_ =	shalt  }
0x6f: {  	_ =	shalt  }
0x70: {  	_ =	shalt  }
0x71: {  	_ =	shalt  }
0x72: {  	_ =	shalt  }
0x73: {  	_ =	shalt  }
0x74: {  	_ =	shalt  }
0x75: {  	_ =	shalt  }
0x76: {  	_ =	shalt  }
0x77: {  	_ =	shalt  }
0x78: {  	_ =	shalt  }
0x79: {  	_ =	shalt  }
0x7a: {  	_ =	shalt  }
0x7b: {  	_ =	shalt  }
0x7c: {  	_ =	shalt  }
0x7d: {  	_ =	shalt  }
0x7e: {  	_ =	shalt  }
0x7f: {  	_ =	shalt  }
0x80: {  	_ =	shalt  }
0x81: {  	_ =	shalt  }
0x82: {  	_ =	shalt  }
0x83: {  	_ =	shalt  }
0x84: {  	_ =	shalt  }
0x85: {  	_ =	shalt  }
0x86: {  	_ =	shalt  }
0x87: {  	_ =	shalt  }
.Lfunc_end0:
.L_simem_size_0:
called_computation.1_lowered:
.L_overlay_start_0:
0x88: {  	s2 =	sld [smem:$0x3FD9]  }
0x89: {  	s3 =	sld [smem:$0x3FFE];
	_ =	sdelay $0x1  }
0x8a: {  	s1 =	srdreg.scid  }
0x8b: {  	s0 =	sand.u32 $0x1, s1  }
0x8c: {  	s14 =	sshll.u32 s0, $0xA;
	s2 =	sadd.s32 s3, s2  }
0x8d: {  	s2 =	sadd.s32 s2, s14  }
0x8e: {  	[smem:$0x3FBF] =	sst s2  }
0x8f: {  	_ = 	snop  }
0x90: {  	s2 =	sld [smem:$0x3FD0];
	_ =	sdelay $0x2  }
0x91: {  	s15 =	simm.s32 $0xA;
	s4 =	simm.s32 $0x10  }
0x92: {  	[smem:s4], [sflag:s15] =	dma.local [hbm:s2], $0x1  }
0x93: {  	_ =	swait.eq [sflag:s15], $0x1  }
0x94: {  	[sflag:s15] =	ssyncset.done $0x0  }
0x95: {  	s16 =	sld [smem:$0x10];
	[sflag:s15] =	ssyncadd.s32 $0xFFFFFFFF  }
0x96: {  	s17 =	sld [smem:$0x11];
	(tm) =	ssettm $0x1  }
0x97: {  	s18 =	sld [smem:$0x3FFB];
	_ =	sdelay $0x3  }
0x98: {  	_ =	strace s18  }
0x99: {  	s4 =	sld [smem:$0x3FFC];
	_ =	sdelay $0x3  }
0x9a: {  	_ =	strace s4  }
0x9b: {  	s4 =	sld [smem:$0x3FFD];
	_ =	sdelay $0x3  }
0x9c: {  	_ =	strace s4  }
0x9d: {  	_ =	strace $0x8FFFFFFF  }
0x9e: {  	s19 =	sld [smem:$0x3FDB];
	_ =	sdelay $0x1  }
0x9f: {  	s5 =	simm.s32 $_scs_section_size  }
0xa0: {  	s6 =	simm.s32 $_size__tile_overlayer_lowered;
	s7 =	simm.s32 $_tile_overlayer_lowered  }
0xa1: {  	s22 =	simm.s32 $0x1BFF;
	s21 =	sshll.u32 s7, $0x1;
	s4 =	sadd.s32 s5, s19  }
0xa2: {  	s8 =	simm.s32 $0x0;
	s20 =	sshll.u32 s6, $0x1;
	s6 =	sadd.s32 s21, s4  }
0xa3: {  	[timem:s8], [sflag:s22] =	dma.local [hbm:s6], s20  }
0xa4: {  	_ =	swait.ge [sflag:s22], s20  }
0xa5: {  	s5 =	ssub.s32 $0x0, s20;
	[sflag:s22] =	ssyncset.done $0x0  }
0xa6: {  	[sflag:s22] =	ssyncadd.s32 s5;
	_ =	sdelay $0x1  }
0xa7: {  	s23 =	simm.s32 $0x1B8B  }
0xa8: {  	_ =	swait.ge [sflag:s23], $0x1  }
0xa9: {  	[sflag:s23] =	ssyncset.done $0x0  }
0xaa: {  	s25 =	simm.s32 $0x1B8E;
	s24 =	sld [smem:$0x3FFE];
	[sflag:s23] =	ssyncadd.s32 $0xFFFFFFFF  }
0xab: {  	s26 =	simm.s32 $execute0_lowered;
	[smem:$0x3FD2] =	sst s25  }
0xac: {  	s6 =	sshll.u32 s26, $0x1;
	_ =	strace $0x80000049;
	[dreg:$0x1] =	wrdreg $0xFFFFFFFF  }
0xad: {  	s28 =	simm.s32 $_size_execute0_lowered;
	s4 =	sadd.s32 s4, s6;
	[dreg:$0x0] =	wrdreg $0x0  }
0xae: {  	s6 =	sshll.u32 s28, $0x1;
	[dreg:$0x2] =	wrdreg s4  }
0xaf: {  	[dreg:$0x3] =	wrdreg s6  }
0xb0: {  	[dreg:$0x4] =	wrdreg $0xC0  }
0xb1: {  	_ =	task [dreg:s8], $0x5FFFF  }
0xb2: {  	[dreg:$0x1] =	wrdreg $0xFFFFFFFF  }
0xb3: {  	[dreg:$0x0] =	wrdreg $0x60  }
0xb4: {  	[dreg:$0x2] =	wrdreg s24  }
0xb5: {  	[dreg:$0x3] =	wrdreg s17  }
0xb6: {  	[dreg:$0x4] =	wrdreg s16  }
0xb7: {  	[dreg:$0x5] =	wrdreg $0x90000  }
0xb8: {  	[dreg:$0x6] =	wrdreg $0x9  }
0xb9: {  	_ =	task.clear_ibuf [dreg:s8], $0x7FFFF;
	_ =	strace $0x90000049  }
0xba: {  	s29 =	simm.s32 $0x9;
	_ =	strace $0x8000004B  }
0xbb: {  	_ =	swait.ge [sflag:s29], $0x1  }
0xbc: {  	[sflag:s29] =	ssyncadd.s32 $0xFFFFFFFF  }
0xbd: {  	_ =	strace $0x9000004B  }
0xbe: {  	_ =	sfence  }
0xbf: {  	s30 =	sld [smem:$0x0];
	_ =	sdelay $0x2  }
0xc0: {  	s31 =	sshll.u32 s1, $0xD;
	s1 =	sshrl.u32 s1, $0x2  }
0xc1: {  	s3 =	sand.u32 $0x4000, s31;
	s1 =	sadd.s32 s1, s30  }
0xc2: {  	s0 =	sor.u32 s3, s0;
	s1 =	sshll.u32 s1, $0x11  }
0xc3: {  	s0 =	sor.u32 s1, s0  }
0xc4: {  	s0 =	sadd.s32 $0x8F2B, s0  }
0xc5: {  	[sflag:s0] =	ssyncadd.remote.s32 $0x1  }
0xc6: {  	_ =	sfence.sel $0xFFFF  }
0xc7: {  	[dreg:$0x0] =	wrdreg $0xFFFFFFFF;
	(pc) =	sbr.abs _section_cstart, $3  }
0xc8: {  	[dreg:$0x1] =	wrdreg $0xFFFFFFFF  }
0xc9: {  	_ =	task.clear_ibuf [dreg:s8], $0x2FFFF;
	_ =	strace $0x9FFFFFFF  }
0xca: {  	(tm) =	ssettm $0x7FFFFFFF  }
0xcb: {  	_ =	shalt  }
tec
execute0_lowered:
.L_overlay_start_1:
0x0: {  	(tag) =	ssettag $0x1  }
0x1: {  	s6 =	rddreg [dreg:$0x0]  }
0x2: {  	s1 =	rddreg [dreg:$0x1]  }
0x3: {  	s9 =	rddreg [dreg:$0x2]  }
0x4: {  	s2 =	rddreg [dreg:$0x3]  }
0x5: {  	s0 =	rddreg [dreg:$0x4];
	s4 =	simm.s32 $0x0;
	s5 =	srdreg.scid  }
0x6: {  	s3 =	stileid.u32;
	s13 =	simm.s32 $0x800;
	s14 =	simm.s32 $0x80  }
0x7: {  	s15 =	simm.s32 $0x1000;
	s16 =	simm.s32 $0x1;
	s17 =	simm.s32 $0x0  }
0x8: {  	[smem:$0x7FF] =	sst s4;
	s7 =	sand.u32 $0x1, s5;
	s8 =	sshll.u32 s3, $0x8  }
0x9: {  	s30 =	sshll.u32 s3, $0x10;
	s31 =	sshll.u32 s3, $0x6;
	s5 =	sshll.u32 s7, $0xC  }
0xa: {  	s10 =	ssub.s32 $0x2, s7;
	_ =	strace $0x8000004A;
	s7 =	sshll.u32 s7, $0x14  }
0xb: {  	s12 =	sadd.s32 s30, s2;
	s8 =	sor.u32 s8, s5;
	s11 =	sshrl.u32 s10, $0x1  }
0xc: {  	s5 =	sadd.s32 $0x5C00, s6;
	s8 =	sadd.s32 s8, s6;
	s10 =	ssub.s32 s10, s11  }
0xd: {  	s6 =	sor.u32 $0x1C02, s31;
	s11 =	sor.u32 s30, s7;
	s7 =	sadd.s32 $0x3C00, s8  }
0xe: {  	s8 =	sadd.s32 $0x1C00, s8;
	s11 =	sshrl.u32 s11, $0x3;
	s10 =	smax.u32 s10, $0x1  }
0xf: {  	s9 =	sadd.s32 s9, s11;
	s11 =	sshrl.u32 s12, $0x3;
	s12 =	simm.s32 $0x2  }
.LBB2_1:
0x10: {  	[spmem:s11], [sflag:s6] =	dma.local [hbm:s1], $0x2000  }
0x11: {  	_ =	swait.ge [sflag:s12], $0x2000  }
0x12: {  	[sflag:s12] =	ssyncset.done $0x0  }
0x13: {  	[sflag:s12] =	ssyncadd.s32 $0xFFFFE000  }
0x14: {  	[tilespmem:s4], [sflag:$0x2] =	stream.linear.gather [hbm4b:s7+s4], $0x800, $0x38;
	[tilespmem:$0x19000] =	vst v63  }
0x15: {  	_ =	swait.ge [sflag:s12], $0x800  }
0x16: {  	[sflag:s12] =	ssyncset.done $0x0  }
0x17: {  	[sflag:s12] =	ssyncadd.s32 $0xFFFFF800  }
0x18: {  	[tilespmem:s13], [sflag:$0x2] =	stream.linear.gather [hbm4b:s8+s4], $0x800, $0x38;
	[tilespmem:$0x19000] =	vst v63  }
0x19: {  	_ =	swait.ge [sflag:s12], $0x800  }
0x1a: {  	[sflag:s12] =	ssyncset.done $0x0  }
0x1b: {  	[sflag:s12] =	ssyncadd.s32 $0xFFFFF800  }
0x1c: {  	s18 =	simm.s32 $0x0;
	[bflag:$0x0] =	sbarrier.arrive $0xFFFF  }
0x1d: {  	[tilespmem:s15], [sflag:$0x1] =	stream.indirect.gather [hbm4b:s5+s14], $0x100, s18, s14, $0xb8;
	[tilespmem:$0x19000] =	vst v63  }
0x1e: {  	_ =	swait.ge [sflag:s16], $0x8000  }
0x1f: {  	[sflag:s16] =	ssyncset.done $0x0  }
0x20: {  	s31 =	simm.s32 $0x800;
	[sflag:s16] =	ssyncadd.s32 $0xFFFF8000  }
0x21: {  	[spmem:s2] =	stream.indirect.scatter.add.f32 [tilespmem:s15], [sflag:$0x2], $0x100, s31, s14, $0xb8;
	[tilespmem:$0x19000] =	vst v63  }
0x22: {  	_ =	swait.ge [sflag:s12], $0x8000  }
0x23: {  	s19 =	simm.s32 $0x400;
	s18 =	simm.s32 $0x200;
	[sflag:s12] =	ssyncset.done $0x0  }
.LBB2_2:
0x24: {  	s20 =	sshra.s32 s18, $0x2  }
0x25: {  	[sflag:s12] =	ssyncadd.s32 $0xFFFF8000;
	s18 =	smov.u32 s19;
	s21 =	sadd.s32 $0x200, s19  }
0x26: {  	[tilespmem:s15], [sflag:$0x1] =	stream.indirect.gather [hbm4b:s5+s14], $0x100, s20, s14, $0xb8;
	[tilespmem:$0x19000] =	vst v63  }
0x27: {  	p0 =	sne.s32 s19, $0x1E00;
	_ =	swait.ge [sflag:s16], $0x8000  }
.Ltmp0:
0x28: {  	[sflag:s16] =	ssyncset.done $0x0;
	(pc) =	sbr.rel @p0 .LBB2_2-.Ltmp0, $4  }
0x29: {  	s19 =	sadd.s32 $0x800, s20;
	[sflag:s16] =	ssyncadd.s32 $0xFFFF8000  }
0x2a: {  	[spmem:s2] =	stream.indirect.scatter.add.f32 [tilespmem:s15], [sflag:$0x2], $0x100, s19, s14, $0xb8;
	[tilespmem:$0x19000] =	vst v63  }
0x2b: {  	_ =	swait.ge [sflag:s12], $0x8000  }
0x2c: {  	s19 =	smov.u32 s21;
	[sflag:s12] =	ssyncset.done $0x0  }
0x2d: {  	s18 =	sshra.s32 s18, $0x2;
	[sflag:s12] =	ssyncadd.s32 $0xFFFF8000  }
0x2e: {  	[tilespmem:s15], [sflag:$0x1] =	stream.indirect.gather [hbm4b:s5+s14], $0x100, s18, s14, $0xb8;
	[tilespmem:$0x19000] =	vst v63  }
0x2f: {  	_ =	swait.ge [sflag:s16], $0x8000  }
0x30: {  	[sflag:s16] =	ssyncset.done $0x0  }
0x31: {  	s18 =	sadd.s32 $0x800, s18;
	[sflag:s16] =	ssyncadd.s32 $0xFFFF8000  }
0x32: {  	[spmem:s2] =	stream.indirect.scatter.add.f32 [tilespmem:s15], [sflag:$0x2], $0x100, s18, s14, $0xb8;
	[tilespmem:$0x19000] =	vst v63  }
0x33: {  	_ =	swait.ge [sflag:s12], $0x8000  }
0x34: {  	s17 =	sadd.s32 $0x1, s17;
	[sflag:s12] =	ssyncset.done $0x0  }
0x35: {  	p0 =	sne.s32 s17, s10;
	[sflag:s12] =	ssyncadd.s32 $0xFFFF8000  }
.Ltmp1:
0x36: {  	[bflag:$0x0] =	sbarrier.arrive $0xFFFF;
	(pc) =	sbr.rel @p0 .LBB2_1-.Ltmp1, $4  }
0x37: {  	[hbm:s9], [sflag:s6] =	dma.local [spmem:s11], $0x2000  }
0x38: {  	_ =	swait.ge [sflag:s12], $0x2000  }
0x39: {  	[sflag:s12] =	ssyncset.done $0x0  }
0x3a: {  	[sflag:s12] =	ssyncadd.s32 $0xFFFFE000  }
0x3b: {  	_ =	sfence.sel $0x180000  }
0x3c: {  	[bflag:$0x0] =	sbarrier.arrive $0xFFFF  }
0x3d: {  	p0 =	sne.s32 s3, $0x0;
	_ =	strace $0x9000004A  }
0x3e: {  	s0 =	sadd.s32 @!p0 $0x100000, s0;
	[bflag:$0x2] =	sbarrier.arrive $0xFFFF  }
0x3f: {  	[sflag:s0] =	ssyncadd.tile.s32 @!p0 $0x1;
	_ =	shalt  }
.Lfunc_end2:
_tile_overlayer_lowered:
.L_overlay_start_2:
0x40: {  	(tag) =	ssettag $0x2  }
0x41: {  	s0 =	rddreg [dreg:$0x0];
	s2 =	stileid.u32  }
0x42: {  	s1 =	rddreg [dreg:$0x1];
	p0 =	sne.s32 s2, $0x0  }
0x43: {  	s3 =	rddreg [dreg:$0x2];
	[bflag:$0x3] =	sbarrier.arrive $0xFFFF;
	s2 =	simm.s32 @!p0 $0x1C02  }
0x44: {  	[timem:s3], [sflag:s2] =	dma.local @!p0 [hbm:s0], s1  }
0x45: {  	s0 =	simm.s32 @!p0 $0x2  }
0x46: {  	_ =	swait.ge @!p0 [sflag:s0], s1  }
0x47: {  	s1 =	ssub.s32 @!p0 $0x0, s1;
	[sflag:s0] =	ssyncset.done @!p0 $0x0  }
0x48: {  	[sflag:s0] =	ssyncadd.s32 @!p0 s1  }
0x49: {  	[bflag:$0x3] =	sbarrier.arrive $0xFFFF  }
0x4a: {  	_ =	shalt  }

// kernel: kernel.16.cloned.1.call-start
scs
__scs_entry_jumppad:
0x0: {  	(pc) =	sbr.rel $0x88, $3  }
0x1: {  	(tag) =	ssettag $0x0;
	lr =	simm.s32 $0x1  }
0x2: {  	[smem:$0x3F98] =	sst lr;
	_ =	strace $0xD0000000  }
0x3: {  	_ = 	snop  }
0x4: {  	_ = 	snop  }
0x5: {  	_ = 	snop  }
0x6: {  	_ = 	snop  }
0x7: {  	_ = 	snop  }
__scs_overlays_trampoline_lowered:
0x8: {  	[smem:$0x3FA7] =	sst s0  }
0x9: {  	[smem:$0x3FA8] =	sst s1  }
0xa: {  	[smem:$0x3FA9] =	sst s2  }
0xb: {  	[smem:$0x3FAA] =	sst s3  }
0xc: {  	[smem:$0x3FAB] =	sst s4  }
0xd: {  	[smem:$0x3FAC] =	sst s5  }
0xe: {  	[smem:$0x3FAD] =	sst s6  }
0xf: {  	[smem:$0x3FAE] =	sst s7  }
0x10: {  	[smem:$0x3FAF] =	sst s8  }
0x11: {  	[smem:$0x3FB0] =	sst s9;
	s0 =	simm.s32 @!p0 $0x0  }
0x12: {  	s1 =	sld [smem:$0x3F96];
	s0 =	simm.s32 @p0 $0x1  }
0x13: {  	[smem:$0x3FB1] =	sst s0;
	s0 =	simm.s32 @!p1 $0x0  }
0x14: {  	s2 =	sld [smem:$0x3F95];
	s0 =	simm.s32 @p1 $0x1  }
0x15: {  	[smem:$0x3FB2] =	sst s0;
	s0 =	simm.s32 @!p2 $0x0  }
0x16: {  	s3 =	sld [smem:$0x3FDB];
	s0 =	simm.s32 @p2 $0x1  }
0x17: {  	s4 =	simm.s32 $0x1BF5;
	[smem:$0x3FB4] =	sst s0  }
0x18: {  	s0 =	sld [smem:$0x3F97];
	_ =	swait.ge [sflag:s4], $0x0  }
0x19: {  	s7 =	sld [smem:$0x3F98]  }
0x1a: {  	s8 =	sadd.s32 $0xFFFFE003, lr  }
0x1b: {  	s9 =	sadd.s32 $0xFFFFFEF7, lr;
	s5 =	simm.s32 $0xFFFFFFFF;
	p2 =	slt.u32 s8, $0xFFFFF086  }
0x1c: {  	p1 =	slt.u32 s9, $0xF7A;
	s5 =	simm.s32 @!p2 $0x0  }
0x1d: {  	s5 =	simm.s32 @p1 $0x1;
	p0 =	seq.s32 s7, s2  }
0x1e: {  	s7 =	smul.u32 @!p0 $0xF7A, s2;
	p2 =	seq.s32 @!p0 s5, $0x0  }
0x1f: {  	s9 =	smul.u32 $0xF7A, s1;
	s8 =	simm.s32 @!p0 $0x1BF5;
	p2 =	por !p2, p0  }
0x20: {  	[sflag:s8] =	ssyncset.s32 @!p0 $0xFFFFF086;
	s6 =	sadd.s32 @!p0 s3, s7;
	s7 =	simm.s32 @!p0 $0x108  }
0x21: {  	s3 =	sadd.s32 s3, s9;
	s6 =	sadd.s32 @!p0 $0x88, s6;
	s7 =	simm.s32 @p2 $0x1082  }
0x22: {  	[simem:s7], [sflag:s8] =	dma.local @!p0 [hbm:s6], $0xF7A  }
0x23: {  	s9 =	sor.u32 $0xD0000000, s2;
	s6 =	simm.s32 $0x108;
	_ =	swait.ge @!p0 [sflag:s8], $0x0  }
0x24: {  	s3 =	sadd.s32 $0x88, s3;
	s6 =	simm.s32 @!p1 $0x1082;
	[sflag:s4] =	ssyncset.s32 $0xFFFFF086  }
0x25: {  	[simem:s6], [sflag:s4] =	dma.local [hbm:s3], $0xF7A  }
0x26: {  	[smem:$0x3F98] =	sst s1;
	(tag) =	ssettag s2;
	_ =	strace s9  }
0x27: {  	s1 =	sld [smem:$0x3FA8]  }
0x28: {  	s2 =	sld [smem:$0x3FA9]  }
0x29: {  	s4 =	sld [smem:$0x3FAB]  }
0x2a: {  	p0 =	seq.s32 s5, $0x0;
	s5 =	sld [smem:$0x3FAC]  }
0x2b: {  	s6 =	sld [smem:$0x3FAD]  }
0x2c: {  	s7 =	sld [smem:$0x3FAE]  }
0x2d: {  	s3 =	simm.s32 $0x108;
	s8 =	sld [smem:$0x3FAF]  }
0x2e: {  	s3 =	simm.s32 @!p0 $0x1082;
	s9 =	sld [smem:$0x3FB0]  }
0x2f: {  	lr =	sadd.s32 s0, s3;
	s0 =	sld [smem:$0x3FA7]  }
0x30: {  	s3 =	sld [smem:$0x3FAA]  }
0x31: {  	[smem:$0x3FB3] =	sst s10  }
0x32: {  	s10 =	sld [smem:$0x3FB1];
	_ =	sdelay $0x3  }
0x33: {  	p0 =	seq.s32 s10, $0x1;
	s10 =	sld [smem:$0x3FB3];
	_ =	sdelay $0x3  }
0x34: {  	[smem:$0x3FB3] =	sst s10  }
0x35: {  	s10 =	sld [smem:$0x3FB2];
	_ =	sdelay $0x3  }
0x36: {  	p1 =	seq.s32 s10, $0x1;
	s10 =	sld [smem:$0x3FB3];
	_ =	sdelay $0x3  }
0x37: {  	[smem:$0x3FB3] =	sst s10  }
0x38: {  	s10 =	sld [smem:$0x3FB4]  }
0x39: {  	_ = 	snop;
	(pc) =	sbr.ind lr, $3  }
0x3a: {  	_ = 	snop  }
0x3b: {  	_ = 	snop  }
0x3c: {  	p2 =	seq.s32 s10, $0x1;
	s10 =	sld [smem:$0x3FB3]  }
0x3d: {  	_ =	shalt  }
0x3e: {  	_ =	shalt  }
0x3f: {  	_ =	shalt  }
0x40: {  	_ =	shalt  }
0x41: {  	_ =	shalt  }
0x42: {  	_ =	shalt  }
0x43: {  	_ =	shalt  }
0x44: {  	_ =	shalt  }
0x45: {  	_ =	shalt  }
0x46: {  	_ =	shalt  }
0x47: {  	_ =	shalt  }
0x48: {  	_ =	shalt  }
0x49: {  	_ =	shalt  }
0x4a: {  	_ =	shalt  }
0x4b: {  	_ =	shalt  }
0x4c: {  	_ =	shalt  }
0x4d: {  	_ =	shalt  }
0x4e: {  	_ =	shalt  }
0x4f: {  	_ =	shalt  }
0x50: {  	_ =	shalt  }
0x51: {  	_ =	shalt  }
0x52: {  	_ =	shalt  }
0x53: {  	_ =	shalt  }
0x54: {  	_ =	shalt  }
0x55: {  	_ =	shalt  }
0x56: {  	_ =	shalt  }
0x57: {  	_ =	shalt  }
0x58: {  	_ =	shalt  }
0x59: {  	_ =	shalt  }
0x5a: {  	_ =	shalt  }
0x5b: {  	_ =	shalt  }
0x5c: {  	_ =	shalt  }
0x5d: {  	_ =	shalt  }
0x5e: {  	_ =	shalt  }
0x5f: {  	_ =	shalt  }
0x60: {  	_ =	shalt  }
0x61: {  	_ =	shalt  }
0x62: {  	_ =	shalt  }
0x63: {  	_ =	shalt  }
0x64: {  	_ =	shalt  }
0x65: {  	_ =	shalt  }
0x66: {  	_ =	shalt  }
0x67: {  	_ =	shalt  }
0x68: {  	_ =	shalt  }
0x69: {  	_ =	shalt  }
0x6a: {  	_ =	shalt  }
0x6b: {  	_ =	shalt  }
0x6c: {  	_ =	shalt  }
0x6d: {  	_ =	shalt  }
0x6e: {  	_ =	shalt  }
0x6f: {  	_ =	shalt  }
0x70: {  	_ =	shalt  }
0x71: {  	_ =	shalt  }
0x72: {  	_ =	shalt  }
0x73: {  	_ =	shalt  }
0x74: {  	_ =	shalt  }
0x75: {  	_ =	shalt  }
0x76: {  	_ =	shalt  }
0x77: {  	_ =	shalt  }
0x78: {  	_ =	shalt  }
0x79: {  	_ =	shalt  }
0x7a: {  	_ =	shalt  }
0x7b: {  	_ =	shalt  }
0x7c: {  	_ =	shalt  }
0x7d: {  	_ =	shalt  }
0x7e: {  	_ =	shalt  }
0x7f: {  	_ =	shalt  }
0x80: {  	_ =	shalt  }
0x81: {  	_ =	shalt  }
0x82: {  	_ =	shalt  }
0x83: {  	_ =	shalt  }
0x84: {  	_ =	shalt  }
0x85: {  	_ =	shalt  }
0x86: {  	_ =	shalt  }
0x87: {  	_ =	shalt  }
.Lfunc_end0:
.L_simem_size_0:
called_computation.2_lowered:
.L_overlay_start_0:
0x88: {  	s2 =	sld [smem:$0x3FD9]  }
0x89: {  	s3 =	sld [smem:$0x3FFE];
	_ =	sdelay $0x1  }
0x8a: {  	s1 =	srdreg.scid  }
0x8b: {  	s0 =	sand.u32 $0x1, s1  }
0x8c: {  	s14 =	sshll.u32 s0, $0xA;
	s2 =	sadd.s32 s3, s2  }
0x8d: {  	s2 =	sadd.s32 s2, s14  }
0x8e: {  	[smem:$0x3FBF] =	sst s2  }
0x8f: {  	_ = 	snop  }
0x90: {  	s2 =	sld [smem:$0x3FD0];
	_ =	sdelay $0x2  }
0x91: {  	s15 =	simm.s32 $0xA;
	s4 =	simm.s32 $0x10  }
0x92: {  	[smem:s4], [sflag:s15] =	dma.local [hbm:s2], $0x1  }
0x93: {  	_ =	swait.eq [sflag:s15], $0x1  }
0x94: {  	[sflag:s15] =	ssyncset.done $0x0  }
0x95: {  	s16 =	sld [smem:$0x10];
	[sflag:s15] =	ssyncadd.s32 $0xFFFFFFFF  }
0x96: {  	s17 =	sld [smem:$0x11];
	(tm) =	ssettm $0x1  }
0x97: {  	s18 =	sld [smem:$0x3FFB];
	_ =	sdelay $0x3  }
0x98: {  	_ =	strace s18  }
0x99: {  	s4 =	sld [smem:$0x3FFC];
	_ =	sdelay $0x3  }
0x9a: {  	_ =	strace s4  }
0x9b: {  	s4 =	sld [smem:$0x3FFD];
	_ =	sdelay $0x3  }
0x9c: {  	_ =	strace s4  }
0x9d: {  	_ =	strace $0x8FFFFFFF  }
0x9e: {  	s19 =	sld [smem:$0x3FDB];
	_ =	sdelay $0x1  }
0x9f: {  	s5 =	simm.s32 $_scs_section_size  }
0xa0: {  	s6 =	simm.s32 $_size__tile_overlayer_lowered;
	s7 =	simm.s32 $_tile_overlayer_lowered  }
0xa1: {  	s22 =	simm.s32 $0x1BFF;
	s21 =	sshll.u32 s7, $0x1;
	s4 =	sadd.s32 s5, s19  }
0xa2: {  	s8 =	simm.s32 $0x0;
	s20 =	sshll.u32 s6, $0x1;
	s6 =	sadd.s32 s21, s4  }
0xa3: {  	[timem:s8], [sflag:s22] =	dma.local [hbm:s6], s20  }
0xa4: {  	_ =	swait.ge [sflag:s22], s20  }
0xa5: {  	s5 =	ssub.s32 $0x0, s20;
	[sflag:s22] =	ssyncset.done $0x0  }
0xa6: {  	[sflag:s22] =	ssyncadd.s32 s5;
	_ =	sdelay $0x1  }
0xa7: {  	s23 =	simm.s32 $0x1B8B  }
0xa8: {  	_ =	swait.ge [sflag:s23], $0x1  }
0xa9: {  	[sflag:s23] =	ssyncset.done $0x0  }
0xaa: {  	s25 =	simm.s32 $0x1B8E;
	s24 =	sld [smem:$0x3FFE];
	[sflag:s23] =	ssyncadd.s32 $0xFFFFFFFF  }
0xab: {  	s26 =	simm.s32 $execute0_lowered;
	[smem:$0x3FD2] =	sst s25  }
0xac: {  	s6 =	sshll.u32 s26, $0x1;
	_ =	strace $0x8000004C;
	[dreg:$0x1] =	wrdreg $0xFFFFFFFF  }
0xad: {  	s28 =	simm.s32 $_size_execute0_lowered;
	s4 =	sadd.s32 s4, s6;
	[dreg:$0x0] =	wrdreg $0x0  }
0xae: {  	s6 =	sshll.u32 s28, $0x1;
	[dreg:$0x2] =	wrdreg s4  }
0xaf: {  	[dreg:$0x3] =	wrdreg s6  }
0xb0: {  	[dreg:$0x4] =	wrdreg $0xC0  }
0xb1: {  	_ =	task [dreg:s8], $0x5FFFF  }
0xb2: {  	[dreg:$0x1] =	wrdreg $0xFFFFFFFF  }
0xb3: {  	[dreg:$0x0] =	wrdreg $0x60  }
0xb4: {  	[dreg:$0x2] =	wrdreg s24  }
0xb5: {  	[dreg:$0x3] =	wrdreg s17  }
0xb6: {  	[dreg:$0x4] =	wrdreg s16  }
0xb7: {  	[dreg:$0x5] =	wrdreg $0x20000  }
0xb8: {  	[dreg:$0x6] =	wrdreg $0x9  }
0xb9: {  	_ =	task.clear_ibuf [dreg:s8], $0x7FFFF;
	_ =	strace $0x9000004C  }
0xba: {  	s29 =	simm.s32 $0x9;
	_ =	strace $0x8000004E  }
0xbb: {  	_ =	swait.ge [sflag:s29], $0x1  }
0xbc: {  	[sflag:s29] =	ssyncadd.s32 $0xFFFFFFFF  }
0xbd: {  	_ =	strace $0x9000004E  }
0xbe: {  	_ =	sfence  }
0xbf: {  	s30 =	sld [smem:$0x0];
	_ =	sdelay $0x2  }
0xc0: {  	s31 =	sshll.u32 s1, $0xD;
	s1 =	sshrl.u32 s1, $0x2  }
0xc1: {  	s3 =	sand.u32 $0x4000, s31;
	s1 =	sadd.s32 s1, s30  }
0xc2: {  	s0 =	sor.u32 s3, s0;
	s1 =	sshll.u32 s1, $0x11  }
0xc3: {  	s0 =	sor.u32 s1, s0  }
0xc4: {  	s0 =	sadd.s32 $0x8F2B, s0  }
0xc5: {  	[sflag:s0] =	ssyncadd.remote.s32 $0x1  }
0xc6: {  	_ =	sfence.sel $0xFFFF  }
0xc7: {  	[dreg:$0x0] =	wrdreg $0xFFFFFFFF;
	(pc) =	sbr.abs _section_cstart, $3  }
0xc8: {  	[dreg:$0x1] =	wrdreg $0xFFFFFFFF  }
0xc9: {  	_ =	task.clear_ibuf [dreg:s8], $0x2FFFF;
	_ =	strace $0x9FFFFFFF  }
0xca: {  	(tm) =	ssettm $0x7FFFFFFF  }
0xcb: {  	_ =	shalt  }
tec
execute0_lowered:
.L_overlay_start_1:
0x0: {  	(tag) =	ssettag $0x1  }
0x1: {  	s6 =	rddreg [dreg:$0x0]  }
0x2: {  	s1 =	rddreg [dreg:$0x1]  }
0x3: {  	s9 =	rddreg [dreg:$0x2]  }
0x4: {  	s2 =	rddreg [dreg:$0x3]  }
0x5: {  	s0 =	rddreg [dreg:$0x4];
	s4 =	simm.s32 $0x0;
	s5 =	srdreg.scid  }
0x6: {  	s3 =	stileid.u32;
	s13 =	simm.s32 $0x800;
	s14 =	simm.s32 $0x80  }
0x7: {  	s15 =	simm.s32 $0x1000;
	s16 =	simm.s32 $0x1;
	s17 =	simm.s32 $0x0  }
0x8: {  	[smem:$0x7FF] =	sst s4;
	s7 =	sand.u32 $0x1, s5;
	s8 =	sshll.u32 s3, $0x8  }
0x9: {  	s30 =	sshll.u32 s3, $0xD;
	s31 =	sshll.u32 s3, $0x6;
	s5 =	sshll.u32 s7, $0xC  }
0xa: {  	s10 =	ssub.s32 $0x2, s7;
	_ =	strace $0x8000004D;
	s7 =	sshll.u32 s7, $0x11  }
0xb: {  	s12 =	sadd.s32 s30, s2;
	s8 =	sor.u32 s8, s5;
	s11 =	sshrl.u32 s10, $0x1  }
0xc: {  	s5 =	sadd.s32 $0x5C00, s6;
	s8 =	sadd.s32 s8, s6;
	s10 =	ssub.s32 s10, s11  }
0xd: {  	s6 =	sor.u32 $0x1C02, s31;
	s11 =	sor.u32 s30, s7;
	s7 =	sadd.s32 $0x3C00, s8  }
0xe: {  	s8 =	sadd.s32 $0x1C00, s8;
	s11 =	sshrl.u32 s11, $0x3;
	s10 =	smax.u32 s10, $0x1  }
0xf: {  	s9 =	sadd.s32 s9, s11;
	s11 =	sshrl.u32 s12, $0x3;
	s12 =	simm.s32 $0x2  }
.LBB2_1:
0x10: {  	[spmem:s11], [sflag:s6] =	dma.local [hbm:s1], $0x400  }
0x11: {  	_ =	swait.ge [sflag:s12], $0x400  }
0x12: {  	[sflag:s12] =	ssyncset.done $0x0  }
0x13: {  	[sflag:s12] =	ssyncadd.s32 $0xFFFFFC00  }
0x14: {  	[tilespmem:s4], [sflag:$0x2] =	stream.linear.gather [hbm4b:s7+s4], $0x800, $0x38;
	[tilespmem:$0x4000] =	vst v63  }
0x15: {  	_ =	swait.ge [sflag:s12], $0x800  }
0x16: {  	[sflag:s12] =	ssyncset.done $0x0  }
0x17: {  	[sflag:s12] =	ssyncadd.s32 $0xFFFFF800  }
0x18: {  	[tilespmem:s13], [sflag:$0x2] =	stream.linear.gather [hbm4b:s8+s4], $0x800, $0x38;
	[tilespmem:$0x4000] =	vst v63  }
0x19: {  	_ =	swait.ge [sflag:s12], $0x800  }
0x1a: {  	[sflag:s12] =	ssyncset.done $0x0  }
0x1b: {  	[sflag:s12] =	ssyncadd.s32 $0xFFFFF800  }
0x1c: {  	s18 =	simm.s32 $0x0;
	[bflag:$0x0] =	sbarrier.arrive $0xFFFF  }
0x1d: {  	[tilespmem:s15], [sflag:$0x1] =	stream.indirect.gather [hbm4b:s5+s14], $0x20, s18, s14, $0xb8;
	[tilespmem:$0x4000] =	vst v63  }
0x1e: {  	_ =	swait.ge [sflag:s16], $0x1000  }
0x1f: {  	[sflag:s16] =	ssyncset.done $0x0  }
0x20: {  	s31 =	simm.s32 $0x800;
	[sflag:s16] =	ssyncadd.s32 $0xFFFFF000  }
0x21: {  	[spmem:s2] =	stream.indirect.scatter.add.f32 [tilespmem:s15], [sflag:$0x2], $0x20, s31, s14, $0xb8;
	[tilespmem:$0x4000] =	vst v63  }
0x22: {  	_ =	swait.ge [sflag:s12], $0x1000  }
0x23: {  	s19 =	simm.s32 $0x400;
	s18 =	simm.s32 $0x200;
	[sflag:s12] =	ssyncset.done $0x0  }
.LBB2_2:
0x24: {  	s20 =	sshra.s32 s18, $0x2  }
0x25: {  	[sflag:s12] =	ssyncadd.s32 $0xFFFFF000;
	s18 =	smov.u32 s19;
	s21 =	sadd.s32 $0x200, s19  }
0x26: {  	[tilespmem:s15], [sflag:$0x1] =	stream.indirect.gather [hbm4b:s5+s14], $0x20, s20, s14, $0xb8;
	[tilespmem:$0x4000] =	vst v63  }
0x27: {  	p0 =	sne.s32 s19, $0x1E00;
	_ =	swait.ge [sflag:s16], $0x1000  }
.Ltmp0:
0x28: {  	[sflag:s16] =	ssyncset.done $0x0;
	(pc) =	sbr.rel @p0 .LBB2_2-.Ltmp0, $4  }
0x29: {  	s19 =	sadd.s32 $0x800, s20;
	[sflag:s16] =	ssyncadd.s32 $0xFFFFF000  }
0x2a: {  	[spmem:s2] =	stream.indirect.scatter.add.f32 [tilespmem:s15], [sflag:$0x2], $0x20, s19, s14, $0xb8;
	[tilespmem:$0x4000] =	vst v63  }
0x2b: {  	_ =	swait.ge [sflag:s12], $0x1000  }
0x2c: {  	s19 =	smov.u32 s21;
	[sflag:s12] =	ssyncset.done $0x0  }
0x2d: {  	s18 =	sshra.s32 s18, $0x2;
	[sflag:s12] =	ssyncadd.s32 $0xFFFFF000  }
0x2e: {  	[tilespmem:s15], [sflag:$0x1] =	stream.indirect.gather [hbm4b:s5+s14], $0x20, s18, s14, $0xb8;
	[tilespmem:$0x4000] =	vst v63  }
0x2f: {  	_ =	swait.ge [sflag:s16], $0x1000  }
0x30: {  	[sflag:s16] =	ssyncset.done $0x0  }
0x31: {  	s18 =	sadd.s32 $0x800, s18;
	[sflag:s16] =	ssyncadd.s32 $0xFFFFF000  }
0x32: {  	[spmem:s2] =	stream.indirect.scatter.add.f32 [tilespmem:s15], [sflag:$0x2], $0x20, s18, s14, $0xb8;
	[tilespmem:$0x4000] =	vst v63  }
0x33: {  	_ =	swait.ge [sflag:s12], $0x1000  }
0x34: {  	s17 =	sadd.s32 $0x1, s17;
	[sflag:s12] =	ssyncset.done $0x0  }
0x35: {  	p0 =	sne.s32 s17, s10;
	[sflag:s12] =	ssyncadd.s32 $0xFFFFF000  }
.Ltmp1:
0x36: {  	[bflag:$0x0] =	sbarrier.arrive $0xFFFF;
	(pc) =	sbr.rel @p0 .LBB2_1-.Ltmp1, $4  }
0x37: {  	[hbm:s9], [sflag:s6] =	dma.local [spmem:s11], $0x400  }
0x38: {  	_ =	swait.ge [sflag:s12], $0x400  }
0x39: {  	[sflag:s12] =	ssyncset.done $0x0  }
0x3a: {  	[sflag:s12] =	ssyncadd.s32 $0xFFFFFC00  }
0x3b: {  	_ =	sfence.sel $0x180000  }
0x3c: {  	[bflag:$0x0] =	sbarrier.arrive $0xFFFF  }
0x3d: {  	p0 =	sne.s32 s3, $0x0;
	_ =	strace $0x9000004D  }
0x3e: {  	s0 =	sadd.s32 @!p0 $0x100000, s0;
	[bflag:$0x2] =	sbarrier.arrive $0xFFFF  }
0x3f: {  	[sflag:s0] =	ssyncadd.tile.s32 @!p0 $0x1;
	_ =	shalt  }
.Lfunc_end2:
_tile_overlayer_lowered:
.L_overlay_start_2:
0x40: {  	(tag) =	ssettag $0x2  }
0x41: {  	s0 =	rddreg [dreg:$0x0];
	s2 =	stileid.u32  }
0x42: {  	s1 =	rddreg [dreg:$0x1];
	p0 =	sne.s32 s2, $0x0  }
0x43: {  	s3 =	rddreg [dreg:$0x2];
	[bflag:$0x3] =	sbarrier.arrive $0xFFFF;
	s2 =	simm.s32 @!p0 $0x1C02  }
0x44: {  	[timem:s3], [sflag:s2] =	dma.local @!p0 [hbm:s0], s1  }
0x45: {  	s0 =	simm.s32 @!p0 $0x2  }
0x46: {  	_ =	swait.ge @!p0 [sflag:s0], s1  }
0x47: {  	s1 =	ssub.s32 @!p0 $0x0, s1;
	[sflag:s0] =	ssyncset.done @!p0 $0x0  }
0x48: {  	[sflag:s0] =	ssyncadd.s32 @!p0 s1  }
0x49: {  	[bflag:$0x3] =	sbarrier.arrive $0xFFFF  }
0x4a: {  	_ =	shalt  }

</sc_bundles>
